<compile_context>
chip_gen: v7x
topology: tpu7x:2x2x1
jax: 0.10.2.dev20260603
libtpu: 0.0.44.dev20260713+nightly
codegen_flags: <defaults>
</compile_context>

<pallas_src>
import functools

import jax
import jax.numpy as jnp
from jax import lax
from jax.experimental import pallas as pl
from jax.experimental.pallas import tpu as pltpu
from jax.experimental.pallas import tpu_sc as plsc

NC = 2
NS = 16
NW = NC * NS
K = 64


def _sc_mesh():
    return plsc.VectorSubcoreMesh(core_axis_name="c", subcore_axis_name="s")


def _make_sc_deg(C, n_pad):
    ept = C * K
    nvec = ept // 16

    @functools.partial(
        pl.kernel,
        out_type=jax.ShapeDtypeStruct((NW, n_pad), jnp.float32),
        mesh=_sc_mesh(),
        compiler_params=pltpu.CompilerParams(needs_layout_passes=False),
        scratch_types=[
            pltpu.MemorySpace.VMEM((ept,), jnp.int32),
            pltpu.MemorySpace.VMEM((n_pad,), jnp.float32),
            pltpu.SemaphoreType.DMA,
        ],
    )
    def deg_kernel(dst_hbm, zeros_hbm, out_hbm, idx_v, hist, sem):
        c = lax.axis_index("c")
        s = lax.axis_index("s")
        wid = s * NC + c
        pltpu.sync_copy(dst_hbm.at[wid], idx_v)
        pltpu.sync_copy(zeros_hbm, hist)
        ones16 = jnp.full((16,), 1.0, jnp.float32)

        def body(i, carry):
            idx = idx_v[pl.ds(i * 16, 16)]
            plsc.addupdate_scatter(hist, [idx], ones16)
            return carry

        lax.fori_loop(0, nvec, body, 0)
        pltpu.sync_copy(hist, out_hbm.at[wid])

    return deg_kernel


def _make_sc_edges(C, n_pad, rows_pt, d):

    NB = 4

    CH = C // 2

    @functools.partial(
        pl.kernel,
        out_type=jax.ShapeDtypeStruct((NC, n_pad, d), jnp.float32),
        mesh=_sc_mesh(),
        scratch_types=[
            pltpu.MemorySpace.VMEM((CH, 2 * K), jnp.int32),
            pltpu.MemorySpace.VMEM((NB, K), jnp.int32),
            [pltpu.MemorySpace.VMEM((K, d), jnp.float32) for _ in range(NB)],
            pltpu.MemorySpace.VMEM_SHARED((n_pad, d), jnp.float32),
            [pltpu.SemaphoreType.DMA for _ in range(NB)],
        ],
    )
    def edge_kernel(hp_hbm, src_hbm, dst_hbm, zeros_hbm, out_hbm,
                    src_v, dst_blk, bufs, acc, sems):
        c = lax.axis_index("c")
        s = lax.axis_index("s")
        wid = s * NC + c
        pltpu.sync_copy(src_hbm.at[wid], src_v)
        pltpu.sync_copy(zeros_hbm, acc.at[pl.ds(s * rows_pt, rows_pt)])
        plsc.subcore_barrier()

        def src_idx(row, half):
            return src_v.at[row, pl.ds(half * K, K)]

        for t in range(NB):
            pltpu.async_copy(hp_hbm.at[src_idx(t // 2, t % 2)], bufs[t], sems[t])

        def outer(b, carry):
            base = b * NB
            pltpu.sync_copy(dst_hbm.at[wid, pl.ds(base, NB)], dst_blk)
            for t in range(NB):
                pltpu.make_async_copy(hp_hbm.at[src_idx(0, 0)], bufs[t], sems[t]).wait()
                pltpu.sync_copy(bufs[t], acc.at[dst_blk.at[t]], add=True)
                rn = lax.rem(2 * b + (t + NB) // 2, CH)
                pltpu.async_copy(hp_hbm.at[src_idx(rn, t % 2)], bufs[t], sems[t])
            return carry

        lax.fori_loop(0, C // NB, outer, 0)
        for t in range(NB):
            pltpu.make_async_copy(hp_hbm.at[src_idx(0, 0)], bufs[t], sems[t]).wait()
        plsc.subcore_barrier()
        pltpu.sync_copy(
            acc.at[pl.ds(s * rows_pt, rows_pt)],
            out_hbm.at[c, pl.ds(s * rows_pt, rows_pt)],
        )

    return edge_kernel


def _tc_call(fn, out_shape):
    return pl.pallas_call(fn, out_shape=out_shape)


def _make_tc1(n, din, d):
    def body(x_ref, w_ref, cnt_ref, hp_ref, dis_ref):
        ones_w = jnp.ones((NW, 1), jnp.float32)
        col = lax.dot_general(cnt_ref[...], ones_w, (((0,), (0,)), ((), ())),
                              preferred_element_type=jnp.float32)
        dis = lax.rsqrt(1.0 + col[0:n, :])
        dis_ref[...] = dis
        h = jnp.dot(x_ref[...], w_ref[...], preferred_element_type=jnp.float32)
        hp_ref[...] = h * dis

    return _tc_call(body, (jax.ShapeDtypeStruct((n, d), jnp.float32),
                           jax.ShapeDtypeStruct((n, 1), jnp.float32)))


def _make_tc2(n, d, dout):
    def body(acc_ref, hp_ref, dis_ref, w_ref, b_ref, hp2_ref):
        dis = dis_ref[...]
        t = (acc_ref[0, 0:n, :] + acc_ref[1, 0:n, :] + hp_ref[...]) * dis + b_ref[...]
        y = jnp.maximum(t, 0.0)
        h2 = jnp.dot(y, w_ref[...], preferred_element_type=jnp.float32)
        hp2_ref[...] = h2 * dis

    return _tc_call(body, jax.ShapeDtypeStruct((n, dout), jnp.float32))


def _make_tc3(n, d):
    def body(acc_ref, hp_ref, dis_ref, b_ref, out_ref):
        out_ref[...] = (
            acc_ref[0, 0:n, :] + acc_ref[1, 0:n, :] + hp_ref[...]
        ) * dis_ref[...] + b_ref[...]

    return _tc_call(body, jax.ShapeDtypeStruct((n, d), jnp.float32))


def kernel(x, edge_index, W1, b1, W2, b2):
    n, din = x.shape
    dh = W1.shape[1]
    dout = W2.shape[1]
    e = edge_index.shape[1]

    C = -(-e // (NW * K))
    C = -(-C // 8) * 8
    e_pad = NW * C * K
    rows_pt = -(-(n + 1) // (NS * 8)) * 8
    n_pad = rows_pt * NS

    src = edge_index[0]
    dst = edge_index[1]
    pad = e_pad - e
    dump = n + jnp.arange(pad, dtype=jnp.int32) % (n_pad - n)
    srcpad = jnp.arange(pad, dtype=jnp.int32) % n
    src_r = jnp.concatenate([src, srcpad]).reshape(NW, C // 2, 2 * K)
    dst_r = jnp.concatenate([dst, dump]).reshape(NW, C, K)
    dst_flat = dst_r.reshape(NW, C * K)

    zerosn = jnp.zeros((n_pad,), jnp.float32)
    zerosd = jnp.zeros((rows_pt, dh), jnp.float32)
    b1r = b1.reshape(1, dh)
    b2r = b2.reshape(1, dout)

    sc_deg = _make_sc_deg(C, n_pad)
    sc_edges = _make_sc_edges(C, n_pad, rows_pt, dh)
    tc1 = _make_tc1(n, din, dh)
    tc2 = _make_tc2(n, dh, dout)
    tc3 = _make_tc3(n, dh)

    cnt = sc_deg(dst_flat, zerosn)
    hp1, dis = tc1(x, W1, cnt)
    acc1 = sc_edges(hp1, src_r, dst_r, zerosd)
    hp2 = tc2(acc1, hp1, dis, W2, b1r)
    acc2 = sc_edges(hp2, src_r, dst_r, zerosd)
    out = tc3(acc2, hp2, dis, b2r)
    return out

# --- scband reference (transcript-rebuilt; emitter-appended) ---
"""Pipeline reference for scband-gcn-53919019434049 (READ-ONLY COPY).

The authoritative reference and input builder live on the scoring server;
editing this copy changes nothing except your own understanding.
"""

import jax, jax.numpy as jnp
import numpy as np


def _gcn_conv(x, W, b, src, dst, n):
    # GCNConv (PyG semantics): add self-loops, symmetric D^{-1/2}(A+I)D^{-1/2} normalization
    loop = jnp.arange(n, dtype=src.dtype)
    s = jnp.concatenate([src, loop])
    d = jnp.concatenate([dst, loop])
    deg = jnp.zeros((n,), dtype=x.dtype).at[d].add(1.0)
    dis = jnp.where(deg > 0, jax.lax.rsqrt(jnp.maximum(deg, 1e-12)), 0.0)
    norm = dis[s] * dis[d]
    h = x @ W
    msg = h[s] * norm[:, None]
    out = jnp.zeros((n, W.shape[1]), dtype=x.dtype).at[d].add(msg)
    return out + b


def setup_inputs(seed: int = 0) -> dict:
    key = jax.random.key(seed)
    k1, k2, k3, k4, k5, k6 = jax.random.split(key, 6)
    n, e = 10000, 320000
    din, dh, dout = 128, 128, 128
    x = jax.random.normal(k1, (n, din), dtype=jnp.float32)
    edge_index = jax.random.randint(k2, (2, e), 0, n, dtype=jnp.int32)
    s1 = 1.0 / np.sqrt(din)
    s2 = 1.0 / np.sqrt(dh)
    W1 = jax.random.uniform(k3, (din, dh), jnp.float32, -s1, s1)
    b1 = jnp.zeros((dh,), dtype=jnp.float32)
    W2 = jax.random.uniform(k4, (dh, dout), jnp.float32, -s2, s2)
    b2 = jnp.zeros((dout,), dtype=jnp.float32)
    return {"x": x, "edge_index": edge_index, "W1": W1, "b1": b1, "W2": W2, "b2": b2}


def reference(x, edge_index, W1, b1, W2, b2):
    n = x.shape[0]
    src = edge_index[0]
    dst = edge_index[1]
    h = _gcn_conv(x, W1, b1, src, dst, n)
    h = jax.nn.relu(h)
    out = _gcn_conv(h, W2, b2, src, dst, n)
    return out

if __name__ == "__main__":
    import jax
    _d = setup_inputs()
    print(jax.jit(kernel)(*tuple(_d.values())))

</pallas_src>

<mosaic_0001>
#map = affine_map<(d0, d1) -> (0, 0)>
#map1 = affine_map<(d0, d1) -> (0)>
module attributes {stable_mosaic.version = 14 : i64} {
  func.func @deg_kernel(%arg0: i32, %arg1: i32, %arg2: memref<32x10240xi32, #tpu.memory_space<hbm>>, %arg3: memref<10112xf32, #tpu.memory_space<hbm>>, %arg4: memref<32x10112xf32, #tpu.memory_space<hbm>>, %arg5: memref<10240xi32, #tpu.memory_space<vmem>>, %arg6: memref<10112xf32, #tpu.memory_space<vmem>>, %arg7: memref<!tpu.dma_semaphore, #tpu.memory_space<semaphore_mem>>) attributes {dimension_semantics = [#tpu.dimension_semantics<core_parallel>, #tpu.dimension_semantics<subcore_parallel>], iteration_bounds = array<i64: 2, 16>, scalar_prefetch = 0 : i64, scratch_operands = 3 : i64, tpu.core_type = #tpu.core_type<sc_vector_subcore>, window_params = [{transform_indices = #map}, {transform_indices = #map1}, {transform_indices = #map}]} {
    %mul3A = arith.constant 2 : i32
    %mul3A_0 = arith.muli %arg1, %mul3A : i32
    %add3A = arith.addi %mul3A_0, %arg0 : i32
    "tpu.region"() ({
      %run_scoped3A = tpu.sem_alloc : memref<!tpu.dma_semaphore, #tpu.memory_space<semaphore_mem>>
      %dma_start3A = arith.constant 0 : i32
      %dma_start3A_7 = tpu.memref_slice %arg2[%add3A, %dma_start3A] : memref<32x10240xi32, #tpu.memory_space<hbm>> -> memref<1x10240xi32, #tpu.memory_space<hbm>>
      %dma_start3A_8 = tpu.memref_squeeze %dma_start3A_7 : memref<1x10240xi32, #tpu.memory_space<hbm>> -> memref<10240xi32, #tpu.memory_space<hbm>>
      %dma_start3A_9 = arith.constant 0 : i32
      %dma_start3A_10 = tpu.memref_slice %arg2[%add3A, %dma_start3A_9] : memref<32x10240xi32, #tpu.memory_space<hbm>> -> memref<1x10240xi32, #tpu.memory_space<hbm>>
      %dma_start3A_11 = tpu.memref_squeeze %dma_start3A_10 : memref<1x10240xi32, #tpu.memory_space<hbm>> -> memref<10240xi32, #tpu.memory_space<hbm>>
      tpu.enqueue_dma source(%dma_start3A_11 : memref<10240xi32, #tpu.memory_space<hbm>>) target(%arg5 : memref<10240xi32, #tpu.memory_space<vmem>>) target_semaphore(%run_scoped3A : memref<!tpu.dma_semaphore, #tpu.memory_space<semaphore_mem>>)
      %dma_wait3A = arith.constant 0 : i32
      %dma_wait3A_12 = tpu.memref_slice %arg2[%add3A, %dma_wait3A] : memref<32x10240xi32, #tpu.memory_space<hbm>> -> memref<1x10240xi32, #tpu.memory_space<hbm>>
      %dma_wait3A_13 = tpu.memref_squeeze %dma_wait3A_12 : memref<1x10240xi32, #tpu.memory_space<hbm>> -> memref<10240xi32, #tpu.memory_space<hbm>>
      %dma_wait3A_14 = arith.constant 0 : i32
      %dma_wait3A_15 = tpu.memref_slice %arg2[%add3A, %dma_wait3A_14] : memref<32x10240xi32, #tpu.memory_space<hbm>> -> memref<1x10240xi32, #tpu.memory_space<hbm>>
      %dma_wait3A_16 = tpu.memref_squeeze %dma_wait3A_15 : memref<1x10240xi32, #tpu.memory_space<hbm>> -> memref<10240xi32, #tpu.memory_space<hbm>>
      tpu.wait_dma2 semaphore(%run_scoped3A : memref<!tpu.dma_semaphore, #tpu.memory_space<semaphore_mem>>) src(%dma_wait3A_16 : memref<10240xi32, #tpu.memory_space<hbm>>) dst(%arg5 : memref<10240xi32, #tpu.memory_space<vmem>>)
      tpu.yield
    }) : () -> ()
    "tpu.region"() ({
      %run_scoped3A = tpu.sem_alloc : memref<!tpu.dma_semaphore, #tpu.memory_space<semaphore_mem>>
      tpu.enqueue_dma source(%arg3 : memref<10112xf32, #tpu.memory_space<hbm>>) target(%arg6 : memref<10112xf32, #tpu.memory_space<vmem>>) target_semaphore(%run_scoped3A : memref<!tpu.dma_semaphore, #tpu.memory_space<semaphore_mem>>)
      tpu.wait_dma2 semaphore(%run_scoped3A : memref<!tpu.dma_semaphore, #tpu.memory_space<semaphore_mem>>) src(%arg3 : memref<10112xf32, #tpu.memory_space<hbm>>) dst(%arg6 : memref<10112xf32, #tpu.memory_space<vmem>>)
      tpu.yield
    }) : () -> ()
    %broadcast_in_dim3A = arith.constant 1.000000e+00 : f32
    %broadcast_in_dim3A_1 = vector.broadcast %broadcast_in_dim3A : f32 to vector<16xf32>
    %scan3A = arith.constant 0 : i32
    %scan3A_2 = arith.constant 0 : i32
    %scan3A_3 = arith.constant 640 : i32
    %scan3A_4 = arith.addi %scan3A_2, %scan3A_3 : i32
    %scan3A_5 = arith.constant 1 : i32
    scf.for %scan3A_7 = %scan3A_2 to %scan3A_4 step %scan3A_5  : i32 {
      %mul3A_8 = arith.constant 16 : i32
      %mul3A_9 = arith.muli %scan3A_7, %mul3A_8 : i32
      %get3A = arith.index_cast %mul3A_9 : i32 to index
      %get3A_10 = tpu.vector_load %arg5[%get3A] {strides = array<i32>} : memref<10240xi32, #tpu.memory_space<vmem>>, vector<16xi32>,
      tpu.vector_store_idx %arg6[%get3A_10], %broadcast_in_dim3A_1 {add = true} : memref<10112xf32, #tpu.memory_space<vmem>>[vector<16xi32>], vector<16xf32>,
    }
    %scan3A_6 = arith.constant 640 : i32
    "tpu.region"() ({
      %run_scoped3A = tpu.sem_alloc : memref<!tpu.dma_semaphore, #tpu.memory_space<semaphore_mem>>
      %dma_start3A = arith.constant 0 : i32
      %dma_start3A_7 = tpu.memref_slice %arg4[%add3A, %dma_start3A] : memref<32x10112xf32, #tpu.memory_space<hbm>> -> memref<1x10112xf32, #tpu.memory_space<hbm>>
      %dma_start3A_8 = tpu.memref_squeeze %dma_start3A_7 : memref<1x10112xf32, #tpu.memory_space<hbm>> -> memref<10112xf32, #tpu.memory_space<hbm>>
      %dma_start3A_9 = arith.constant 0 : i32
      %dma_start3A_10 = tpu.memref_slice %arg4[%add3A, %dma_start3A_9] : memref<32x10112xf32, #tpu.memory_space<hbm>> -> memref<1x10112xf32, #tpu.memory_space<hbm>>
      %dma_start3A_11 = tpu.memref_squeeze %dma_start3A_10 : memref<1x10112xf32, #tpu.memory_space<hbm>> -> memref<10112xf32, #tpu.memory_space<hbm>>
      tpu.enqueue_dma source(%arg6 : memref<10112xf32, #tpu.memory_space<vmem>>) target(%dma_start3A_11 : memref<10112xf32, #tpu.memory_space<hbm>>) target_semaphore(%run_scoped3A : memref<!tpu.dma_semaphore, #tpu.memory_space<semaphore_mem>>)
      %dma_wait3A = arith.constant 0 : i32
      %dma_wait3A_12 = tpu.memref_slice %arg4[%add3A, %dma_wait3A] : memref<32x10112xf32, #tpu.memory_space<hbm>> -> memref<1x10112xf32, #tpu.memory_space<hbm>>
      %dma_wait3A_13 = tpu.memref_squeeze %dma_wait3A_12 : memref<1x10112xf32, #tpu.memory_space<hbm>> -> memref<10112xf32, #tpu.memory_space<hbm>>
      %dma_wait3A_14 = arith.constant 0 : i32
      %dma_wait3A_15 = tpu.memref_slice %arg4[%add3A, %dma_wait3A_14] : memref<32x10112xf32, #tpu.memory_space<hbm>> -> memref<1x10112xf32, #tpu.memory_space<hbm>>
      %dma_wait3A_16 = tpu.memref_squeeze %dma_wait3A_15 : memref<1x10112xf32, #tpu.memory_space<hbm>> -> memref<10112xf32, #tpu.memory_space<hbm>>
      tpu.wait_dma2 semaphore(%run_scoped3A : memref<!tpu.dma_semaphore, #tpu.memory_space<semaphore_mem>>) src(%arg6 : memref<10112xf32, #tpu.memory_space<vmem>>) dst(%dma_wait3A_16 : memref<10112xf32, #tpu.memory_space<hbm>>)
      tpu.yield
    }) : () -> ()
    return
  }
}

#map = affine_map<(d0, d1) -> (0, 0)>
#map1 = affine_map<(d0, d1) -> (0, 0, 0)>
module attributes {stable_mosaic.version = 14 : i64} {
  func.func @edge_kernel(%arg0: i32, %arg1: i32, %arg2: memref<10000x128xf32, #tpu.memory_space<hbm>>, %arg3: memref<32x80x128xi32, #tpu.memory_space<hbm>>, %arg4: memref<32x160x64xi32, #tpu.memory_space<hbm>>, %arg5: memref<632x128xf32, #tpu.memory_space<hbm>>, %arg6: memref<2x10112x128xf32, #tpu.memory_space<hbm>>, %arg7: memref<80x128xi32, #tpu.memory_space<vmem>>, %arg8: memref<4x64xi32, #tpu.memory_space<vmem>>, %arg9: memref<64x128xf32, #tpu.memory_space<vmem>>, %arg10: memref<64x128xf32, #tpu.memory_space<vmem>>, %arg11: memref<64x128xf32, #tpu.memory_space<vmem>>, %arg12: memref<64x128xf32, #tpu.memory_space<vmem>>, %arg13: memref<10112x128xf32, #tpu.memory_space<vmem_shared>>, %arg14: memref<!tpu.dma_semaphore, #tpu.memory_space<semaphore_mem>>, %arg15: memref<!tpu.dma_semaphore, #tpu.memory_space<semaphore_mem>>, %arg16: memref<!tpu.dma_semaphore, #tpu.memory_space<semaphore_mem>>, %arg17: memref<!tpu.dma_semaphore, #tpu.memory_space<semaphore_mem>>) attributes {dimension_semantics = [#tpu.dimension_semantics<core_parallel>, #tpu.dimension_semantics<subcore_parallel>], iteration_bounds = array<i64: 2, 16>, scalar_prefetch = 0 : i64, scratch_operands = 11 : i64, tpu.core_type = #tpu.core_type<sc_vector_subcore>, window_params = [{transform_indices = #map}, {transform_indices = #map1}, {transform_indices = #map1}, {transform_indices = #map}, {transform_indices = #map1}]} {
    %mul3A = arith.constant 2 : i32
    %mul3A_0 = arith.muli %arg1, %mul3A : i32
    %add3A = arith.addi %mul3A_0, %arg0 : i32
    "tpu.region"() ({
      %run_scoped3A = tpu.sem_alloc : memref<!tpu.dma_semaphore, #tpu.memory_space<semaphore_mem>>
      %dma_start3A_67 = arith.constant 0 : i32
      %dma_start3A_68 = arith.constant 0 : i32
      %dma_start3A_69 = tpu.memref_slice %arg3[%add3A, %dma_start3A_67, %dma_start3A_68] : memref<32x80x128xi32, #tpu.memory_space<hbm>> -> memref<1x80x128xi32, #tpu.memory_space<hbm>>
      %dma_start3A_70 = tpu.memref_squeeze %dma_start3A_69 : memref<1x80x128xi32, #tpu.memory_space<hbm>> -> memref<80x128xi32, #tpu.memory_space<hbm>>
      %dma_start3A_71 = arith.constant 0 : i32
      %dma_start3A_72 = arith.constant 0 : i32
      %dma_start3A_73 = tpu.memref_slice %arg3[%add3A, %dma_start3A_71, %dma_start3A_72] : memref<32x80x128xi32, #tpu.memory_space<hbm>> -> memref<1x80x128xi32, #tpu.memory_space<hbm>>
      %dma_start3A_74 = tpu.memref_squeeze %dma_start3A_73 : memref<1x80x128xi32, #tpu.memory_space<hbm>> -> memref<80x128xi32, #tpu.memory_space<hbm>>
      tpu.enqueue_dma source(%dma_start3A_74 : memref<80x128xi32, #tpu.memory_space<hbm>>) target(%arg7 : memref<80x128xi32, #tpu.memory_space<vmem>>) target_semaphore(%run_scoped3A : memref<!tpu.dma_semaphore, #tpu.memory_space<semaphore_mem>>)
      %dma_wait3A_75 = arith.constant 0 : i32
      %dma_wait3A_76 = arith.constant 0 : i32
      %dma_wait3A_77 = tpu.memref_slice %arg3[%add3A, %dma_wait3A_75, %dma_wait3A_76] : memref<32x80x128xi32, #tpu.memory_space<hbm>> -> memref<1x80x128xi32, #tpu.memory_space<hbm>>
      %dma_wait3A_78 = tpu.memref_squeeze %dma_wait3A_77 : memref<1x80x128xi32, #tpu.memory_space<hbm>> -> memref<80x128xi32, #tpu.memory_space<hbm>>
      %dma_wait3A_79 = arith.constant 0 : i32
      %dma_wait3A_80 = arith.constant 0 : i32
      %dma_wait3A_81 = tpu.memref_slice %arg3[%add3A, %dma_wait3A_79, %dma_wait3A_80] : memref<32x80x128xi32, #tpu.memory_space<hbm>> -> memref<1x80x128xi32, #tpu.memory_space<hbm>>
      %dma_wait3A_82 = tpu.memref_squeeze %dma_wait3A_81 : memref<1x80x128xi32, #tpu.memory_space<hbm>> -> memref<80x128xi32, #tpu.memory_space<hbm>>
      tpu.wait_dma2 semaphore(%run_scoped3A : memref<!tpu.dma_semaphore, #tpu.memory_space<semaphore_mem>>) src(%dma_wait3A_82 : memref<80x128xi32, #tpu.memory_space<hbm>>) dst(%arg7 : memref<80x128xi32, #tpu.memory_space<vmem>>)
      tpu.yield
    }) : () -> ()
    %mul3A_1 = arith.constant 632 : i32
    %mul3A_2 = arith.muli %arg1, %mul3A_1 : i32
    "tpu.region"() ({
      %run_scoped3A = tpu.sem_alloc : memref<!tpu.dma_semaphore, #tpu.memory_space<semaphore_mem>>
      %dma_start3A_67 = arith.constant 0 : i32
      %dma_start3A_68 = tpu.memref_slice %arg13[%mul3A_2, %dma_start3A_67] : memref<10112x128xf32, #tpu.memory_space<vmem_shared>> -> memref<632x128xf32, #tpu.memory_space<vmem_shared>>
      tpu.enqueue_dma source(%arg5 : memref<632x128xf32, #tpu.memory_space<hbm>>) target(%dma_start3A_68 : memref<632x128xf32, #tpu.memory_space<vmem_shared>>) target_semaphore(%run_scoped3A : memref<!tpu.dma_semaphore, #tpu.memory_space<semaphore_mem>>)
      %dma_wait3A_69 = arith.constant 0 : i32
      %dma_wait3A_70 = tpu.memref_slice %arg13[%mul3A_2, %dma_wait3A_69] : memref<10112x128xf32, #tpu.memory_space<vmem_shared>> -> memref<632x128xf32, #tpu.memory_space<vmem_shared>>
      tpu.wait_dma2 semaphore(%run_scoped3A : memref<!tpu.dma_semaphore, #tpu.memory_space<semaphore_mem>>) src(%arg5 : memref<632x128xf32, #tpu.memory_space<hbm>>) dst(%dma_wait3A_70 : memref<632x128xf32, #tpu.memory_space<vmem_shared>>)
      tpu.yield
    }) : () -> ()
    %barrier3A = arith.constant 0 : index
    tpu.barrier barrier_id(%barrier3A)
    %dma_start3A = arith.constant 0 : i32
    %dma_start3A_3 = arith.constant 0 : i32
    %dma_start3A_4 = tpu.memref_slice %arg7[%dma_start3A, %dma_start3A_3] : memref<80x128xi32, #tpu.memory_space<vmem>> -> memref<1x64xi32, #tpu.memory_space<vmem>>
    %dma_start3A_5 = tpu.memref_squeeze %dma_start3A_4 : memref<1x64xi32, #tpu.memory_space<vmem>> -> memref<64xi32, #tpu.memory_space<vmem>>
    %dma_start3A_6 = arith.constant 0 : i32
    %dma_start3A_7 = arith.constant 0 : i32
    %dma_start3A_8 = tpu.memref_slice %arg2[%dma_start3A_6, %dma_start3A_7] : memref<10000x128xf32, #tpu.memory_space<hbm>> -> memref<10000x128xf32, #tpu.memory_space<hbm>>
    tpu.enqueue_indirect_dma source(%dma_start3A_8 : memref<10000x128xf32, #tpu.memory_space<hbm>>) target(%arg9 : memref<64x128xf32, #tpu.memory_space<vmem>>) offsets(%dma_start3A_5 : memref<64xi32, #tpu.memory_space<vmem>>) semaphore(%arg14 : memref<!tpu.dma_semaphore, #tpu.memory_space<semaphore_mem>>)
    %dma_start3A_9 = arith.constant 0 : i32
    %dma_start3A_10 = arith.constant 64 : i32
    %dma_start3A_11 = tpu.memref_slice %arg7[%dma_start3A_9, %dma_start3A_10] : memref<80x128xi32, #tpu.memory_space<vmem>> -> memref<1x64xi32, #tpu.memory_space<vmem>>
    %dma_start3A_12 = tpu.memref_squeeze %dma_start3A_11 : memref<1x64xi32, #tpu.memory_space<vmem>> -> memref<64xi32, #tpu.memory_space<vmem>>
    %dma_start3A_13 = arith.constant 0 : i32
    %dma_start3A_14 = arith.constant 0 : i32
    %dma_start3A_15 = tpu.memref_slice %arg2[%dma_start3A_13, %dma_start3A_14] : memref<10000x128xf32, #tpu.memory_space<hbm>> -> memref<10000x128xf32, #tpu.memory_space<hbm>>
    tpu.enqueue_indirect_dma source(%dma_start3A_15 : memref<10000x128xf32, #tpu.memory_space<hbm>>) target(%arg10 : memref<64x128xf32, #tpu.memory_space<vmem>>) offsets(%dma_start3A_12 : memref<64xi32, #tpu.memory_space<vmem>>) semaphore(%arg15 : memref<!tpu.dma_semaphore, #tpu.memory_space<semaphore_mem>>)
    %dma_start3A_16 = arith.constant 1 : i32
    %dma_start3A_17 = arith.constant 0 : i32
    %dma_start3A_18 = tpu.memref_slice %arg7[%dma_start3A_16, %dma_start3A_17] : memref<80x128xi32, #tpu.memory_space<vmem>> -> memref<1x64xi32, #tpu.memory_space<vmem>>
    %dma_start3A_19 = tpu.memref_squeeze %dma_start3A_18 : memref<1x64xi32, #tpu.memory_space<vmem>> -> memref<64xi32, #tpu.memory_space<vmem>>
    %dma_start3A_20 = arith.constant 0 : i32
    %dma_start3A_21 = arith.constant 0 : i32
    %dma_start3A_22 = tpu.memref_slice %arg2[%dma_start3A_20, %dma_start3A_21] : memref<10000x128xf32, #tpu.memory_space<hbm>> -> memref<10000x128xf32, #tpu.memory_space<hbm>>
    tpu.enqueue_indirect_dma source(%dma_start3A_22 : memref<10000x128xf32, #tpu.memory_space<hbm>>) target(%arg11 : memref<64x128xf32, #tpu.memory_space<vmem>>) offsets(%dma_start3A_19 : memref<64xi32, #tpu.memory_space<vmem>>) semaphore(%arg16 : memref<!tpu.dma_semaphore, #tpu.memory_space<semaphore_mem>>)
    %dma_start3A_23 = arith.constant 1 : i32
    %dma_start3A_24 = arith.constant 64 : i32
    %dma_start3A_25 = tpu.memref_slice %arg7[%dma_start3A_23, %dma_start3A_24] : memref<80x128xi32, #tpu.memory_space<vmem>> -> memref<1x64xi32, #tpu.memory_space<vmem>>
    %dma_start3A_26 = tpu.memref_squeeze %dma_start3A_25 : memref<1x64xi32, #tpu.memory_space<vmem>> -> memref<64xi32, #tpu.memory_space<vmem>>
    %dma_start3A_27 = arith.constant 0 : i32
    %dma_start3A_28 = arith.constant 0 : i32
    %dma_start3A_29 = tpu.memref_slice %arg2[%dma_start3A_27, %dma_start3A_28] : memref<10000x128xf32, #tpu.memory_space<hbm>> -> memref<10000x128xf32, #tpu.memory_space<hbm>>
    tpu.enqueue_indirect_dma source(%dma_start3A_29 : memref<10000x128xf32, #tpu.memory_space<hbm>>) target(%arg12 : memref<64x128xf32, #tpu.memory_space<vmem>>) offsets(%dma_start3A_26 : memref<64xi32, #tpu.memory_space<vmem>>) semaphore(%arg17 : memref<!tpu.dma_semaphore, #tpu.memory_space<semaphore_mem>>)
    %scan3A = arith.constant 0 : i32
    %scan3A_30 = arith.constant 0 : i32
    %scan3A_31 = arith.constant 40 : i32
    %scan3A_32 = arith.addi %scan3A_30, %scan3A_31 : i32
    %scan3A_33 = arith.constant 1 : i32
    scf.for %scan3A_67 = %scan3A_30 to %scan3A_32 step %scan3A_33  : i32 {
      %mul3A_68 = arith.constant 4 : i32
      %mul3A_69 = arith.muli %scan3A_67, %mul3A_68 : i32
      "tpu.region"() ({
        %run_scoped3A_148 = tpu.sem_alloc : memref<!tpu.dma_semaphore, #tpu.memory_space<semaphore_mem>>
        %dma_start3A_149 = arith.constant 0 : i32
        %dma_start3A_150 = tpu.memref_slice %arg4[%add3A, %mul3A_69, %dma_start3A_149] : memref<32x160x64xi32, #tpu.memory_space<hbm>> -> memref<1x4x64xi32, #tpu.memory_space<hbm>>
        %dma_start3A_151 = tpu.memref_squeeze %dma_start3A_150 : memref<1x4x64xi32, #tpu.memory_space<hbm>> -> memref<4x64xi32, #tpu.memory_space<hbm>>
        %dma_start3A_152 = arith.constant 0 : i32
        %dma_start3A_153 = tpu.memref_slice %arg4[%add3A, %mul3A_69, %dma_start3A_152] : memref<32x160x64xi32, #tpu.memory_space<hbm>> -> memref<1x4x64xi32, #tpu.memory_space<hbm>>
        %dma_start3A_154 = tpu.memref_squeeze %dma_start3A_153 : memref<1x4x64xi32, #tpu.memory_space<hbm>> -> memref<4x64xi32, #tpu.memory_space<hbm>>
        tpu.enqueue_dma source(%dma_start3A_154 : memref<4x64xi32, #tpu.memory_space<hbm>>) target(%arg8 : memref<4x64xi32, #tpu.memory_space<vmem>>) target_semaphore(%run_scoped3A_148 : memref<!tpu.dma_semaphore, #tpu.memory_space<semaphore_mem>>)
        %dma_wait3A_155 = arith.constant 0 : i32
        %dma_wait3A_156 = tpu.memref_slice %arg4[%add3A, %mul3A_69, %dma_wait3A_155] : memref<32x160x64xi32, #tpu.memory_space<hbm>> -> memref<1x4x64xi32, #tpu.memory_space<hbm>>
        %dma_wait3A_157 = tpu.memref_squeeze %dma_wait3A_156 : memref<1x4x64xi32, #tpu.memory_space<hbm>> -> memref<4x64xi32, #tpu.memory_space<hbm>>
        %dma_wait3A_158 = arith.constant 0 : i32
        %dma_wait3A_159 = tpu.memref_slice %arg4[%add3A, %mul3A_69, %dma_wait3A_158] : memref<32x160x64xi32, #tpu.memory_space<hbm>> -> memref<1x4x64xi32, #tpu.memory_space<hbm>>
        %dma_wait3A_160 = tpu.memref_squeeze %dma_wait3A_159 : memref<1x4x64xi32, #tpu.memory_space<hbm>> -> memref<4x64xi32, #tpu.memory_space<hbm>>
        tpu.wait_dma2 semaphore(%run_scoped3A_148 : memref<!tpu.dma_semaphore, #tpu.memory_space<semaphore_mem>>) src(%dma_wait3A_160 : memref<4x64xi32, #tpu.memory_space<hbm>>) dst(%arg8 : memref<4x64xi32, #tpu.memory_space<vmem>>)
        tpu.yield
      }) : () -> ()
      %dma_wait3A_70 = arith.constant 0 : i32
      %dma_wait3A_71 = arith.constant 0 : i32
      %dma_wait3A_72 = tpu.memref_slice %arg7[%dma_wait3A_70, %dma_wait3A_71] : memref<80x128xi32, #tpu.memory_space<vmem>> -> memref<1x64xi32, #tpu.memory_space<vmem>>
      %dma_wait3A_73 = tpu.memref_squeeze %dma_wait3A_72 : memref<1x64xi32, #tpu.memory_space<vmem>> -> memref<64xi32, #tpu.memory_space<vmem>>
      %dma_wait3A_74 = arith.constant 0 : i32
      %dma_wait3A_75 = arith.constant 0 : i32
      %dma_wait3A_76 = tpu.memref_slice %arg2[%dma_wait3A_74, %dma_wait3A_75] : memref<10000x128xf32, #tpu.memory_space<hbm>> -> memref<10000x128xf32, #tpu.memory_space<hbm>>
      tpu.wait_indirect_dma semaphore(%arg14 : memref<!tpu.dma_semaphore, #tpu.memory_space<semaphore_mem>>) src(%dma_wait3A_76 : memref<10000x128xf32, #tpu.memory_space<hbm>>) dst(%arg9 : memref<64x128xf32, #tpu.memory_space<vmem>>)
      %run_scoped3A = arith.constant 0 : i32
      "tpu.region"() ({
        %run_scoped3A_148 = tpu.sem_alloc : memref<!tpu.dma_semaphore, #tpu.memory_space<semaphore_mem>>
        %dma_start3A_149 = arith.constant 0 : i32
        %dma_start3A_150 = tpu.memref_slice %arg8[%run_scoped3A, %dma_start3A_149] : memref<4x64xi32, #tpu.memory_space<vmem>> -> memref<1x64xi32, #tpu.memory_space<vmem>>
        %dma_start3A_151 = tpu.memref_squeeze %dma_start3A_150 : memref<1x64xi32, #tpu.memory_space<vmem>> -> memref<64xi32, #tpu.memory_space<vmem>>
        %dma_start3A_152 = arith.constant 0 : i32
        %dma_start3A_153 = arith.constant 0 : i32
        %dma_start3A_154 = tpu.memref_slice %arg13[%dma_start3A_152, %dma_start3A_153] : memref<10112x128xf32, #tpu.memory_space<vmem_shared>> -> memref<10112x128xf32, #tpu.memory_space<vmem_shared>>
        tpu.enqueue_indirect_dma source(%arg9 : memref<64x128xf32, #tpu.memory_space<vmem>>) target(%dma_start3A_154 : memref<10112x128xf32, #tpu.memory_space<vmem_shared>>) offsets(%dma_start3A_151 : memref<64xi32, #tpu.memory_space<vmem>>) semaphore(%run_scoped3A_148 : memref<!tpu.dma_semaphore, #tpu.memory_space<semaphore_mem>>) {add = true}
        %dma_wait3A_155 = arith.constant 0 : i32
        %dma_wait3A_156 = tpu.memref_slice %arg8[%run_scoped3A, %dma_wait3A_155] : memref<4x64xi32, #tpu.memory_space<vmem>> -> memref<1x64xi32, #tpu.memory_space<vmem>>
        %dma_wait3A_157 = tpu.memref_squeeze %dma_wait3A_156 : memref<1x64xi32, #tpu.memory_space<vmem>> -> memref<64xi32, #tpu.memory_space<vmem>>
        %dma_wait3A_158 = arith.constant 0 : i32
        %dma_wait3A_159 = arith.constant 0 : i32
        %dma_wait3A_160 = tpu.memref_slice %arg13[%dma_wait3A_158, %dma_wait3A_159] : memref<10112x128xf32, #tpu.memory_space<vmem_shared>> -> memref<10112x128xf32, #tpu.memory_space<vmem_shared>>
        tpu.wait_indirect_dma semaphore(%run_scoped3A_148 : memref<!tpu.dma_semaphore, #tpu.memory_space<semaphore_mem>>) src(%arg9 : memref<64x128xf32, #tpu.memory_space<vmem>>) dst(%dma_wait3A_160 : memref<10112x128xf32, #tpu.memory_space<vmem_shared>>)
        tpu.yield
      }) : () -> ()
      %mul3A_77 = arith.constant 2 : i32
      %mul3A_78 = arith.muli %mul3A_77, %scan3A_67 : i32
      %add3A_79 = arith.constant 2 : i32
      %add3A_80 = arith.addi %mul3A_78, %add3A_79 : i32
      %rem3A = arith.constant 80 : i32
      %rem3A_81 = arith.remsi %add3A_80, %rem3A : i32
      %dma_start3A_82 = arith.constant 0 : i32
      %dma_start3A_83 = tpu.memref_slice %arg7[%rem3A_81, %dma_start3A_82] : memref<80x128xi32, #tpu.memory_space<vmem>> -> memref<1x64xi32, #tpu.memory_space<vmem>>
      %dma_start3A_84 = tpu.memref_squeeze %dma_start3A_83 : memref<1x64xi32, #tpu.memory_space<vmem>> -> memref<64xi32, #tpu.memory_space<vmem>>
      %dma_start3A_85 = arith.constant 0 : i32
      %dma_start3A_86 = arith.constant 0 : i32
      %dma_start3A_87 = tpu.memref_slice %arg2[%dma_start3A_85, %dma_start3A_86] : memref<10000x128xf32, #tpu.memory_space<hbm>> -> memref<10000x128xf32, #tpu.memory_space<hbm>>
      tpu.enqueue_indirect_dma source(%dma_start3A_87 : memref<10000x128xf32, #tpu.memory_space<hbm>>) target(%arg9 : memref<64x128xf32, #tpu.memory_space<vmem>>) offsets(%dma_start3A_84 : memref<64xi32, #tpu.memory_space<vmem>>) semaphore(%arg14 : memref<!tpu.dma_semaphore, #tpu.memory_space<semaphore_mem>>)
      %dma_wait3A_88 = arith.constant 0 : i32
      %dma_wait3A_89 = arith.constant 0 : i32
      %dma_wait3A_90 = tpu.memref_slice %arg7[%dma_wait3A_88, %dma_wait3A_89] : memref<80x128xi32, #tpu.memory_space<vmem>> -> memref<1x64xi32, #tpu.memory_space<vmem>>
      %dma_wait3A_91 = tpu.memref_squeeze %dma_wait3A_90 : memref<1x64xi32, #tpu.memory_space<vmem>> -> memref<64xi32, #tpu.memory_space<vmem>>
      %dma_wait3A_92 = arith.constant 0 : i32
      %dma_wait3A_93 = arith.constant 0 : i32
      %dma_wait3A_94 = tpu.memref_slice %arg2[%dma_wait3A_92, %dma_wait3A_93] : memref<10000x128xf32, #tpu.memory_space<hbm>> -> memref<10000x128xf32, #tpu.memory_space<hbm>>
      tpu.wait_indirect_dma semaphore(%arg15 : memref<!tpu.dma_semaphore, #tpu.memory_space<semaphore_mem>>) src(%dma_wait3A_94 : memref<10000x128xf32, #tpu.memory_space<hbm>>) dst(%arg10 : memref<64x128xf32, #tpu.memory_space<vmem>>)
      %run_scoped3A_95 = arith.constant 1 : i32
      "tpu.region"() ({
        %run_scoped3A_148 = tpu.sem_alloc : memref<!tpu.dma_semaphore, #tpu.memory_space<semaphore_mem>>
        %dma_start3A_149 = arith.constant 0 : i32
        %dma_start3A_150 = tpu.memref_slice %arg8[%run_scoped3A_95, %dma_start3A_149] : memref<4x64xi32, #tpu.memory_space<vmem>> -> memref<1x64xi32, #tpu.memory_space<vmem>>
        %dma_start3A_151 = tpu.memref_squeeze %dma_start3A_150 : memref<1x64xi32, #tpu.memory_space<vmem>> -> memref<64xi32, #tpu.memory_space<vmem>>
        %dma_start3A_152 = arith.constant 0 : i32
        %dma_start3A_153 = arith.constant 0 : i32
        %dma_start3A_154 = tpu.memref_slice %arg13[%dma_start3A_152, %dma_start3A_153] : memref<10112x128xf32, #tpu.memory_space<vmem_shared>> -> memref<10112x128xf32, #tpu.memory_space<vmem_shared>>
        tpu.enqueue_indirect_dma source(%arg10 : memref<64x128xf32, #tpu.memory_space<vmem>>) target(%dma_start3A_154 : memref<10112x128xf32, #tpu.memory_space<vmem_shared>>) offsets(%dma_start3A_151 : memref<64xi32, #tpu.memory_space<vmem>>) semaphore(%run_scoped3A_148 : memref<!tpu.dma_semaphore, #tpu.memory_space<semaphore_mem>>) {add = true}
        %dma_wait3A_155 = arith.constant 0 : i32
        %dma_wait3A_156 = tpu.memref_slice %arg8[%run_scoped3A_95, %dma_wait3A_155] : memref<4x64xi32, #tpu.memory_space<vmem>> -> memref<1x64xi32, #tpu.memory_space<vmem>>
        %dma_wait3A_157 = tpu.memref_squeeze %dma_wait3A_156 : memref<1x64xi32, #tpu.memory_space<vmem>> -> memref<64xi32, #tpu.memory_space<vmem>>
        %dma_wait3A_158 = arith.constant 0 : i32
        %dma_wait3A_159 = arith.constant 0 : i32
        %dma_wait3A_160 = tpu.memref_slice %arg13[%dma_wait3A_158, %dma_wait3A_159] : memref<10112x128xf32, #tpu.memory_space<vmem_shared>> -> memref<10112x128xf32, #tpu.memory_space<vmem_shared>>
        tpu.wait_indirect_dma semaphore(%run_scoped3A_148 : memref<!tpu.dma_semaphore, #tpu.memory_space<semaphore_mem>>) src(%arg10 : memref<64x128xf32, #tpu.memory_space<vmem>>) dst(%dma_wait3A_160 : memref<10112x128xf32, #tpu.memory_space<vmem_shared>>)
        tpu.yield
      }) : () -> ()
      %mul3A_96 = arith.constant 2 : i32
      %mul3A_97 = arith.muli %mul3A_96, %scan3A_67 : i32
      %add3A_98 = arith.constant 2 : i32
      %add3A_99 = arith.addi %mul3A_97, %add3A_98 : i32
      %rem3A_100 = arith.constant 80 : i32
      %rem3A_101 = arith.remsi %add3A_99, %rem3A_100 : i32
      %dma_start3A_102 = arith.constant 64 : i32
      %dma_start3A_103 = tpu.memref_slice %arg7[%rem3A_101, %dma_start3A_102] : memref<80x128xi32, #tpu.memory_space<vmem>> -> memref<1x64xi32, #tpu.memory_space<vmem>>
      %dma_start3A_104 = tpu.memref_squeeze %dma_start3A_103 : memref<1x64xi32, #tpu.memory_space<vmem>> -> memref<64xi32, #tpu.memory_space<vmem>>
      %dma_start3A_105 = arith.constant 0 : i32
      %dma_start3A_106 = arith.constant 0 : i32
      %dma_start3A_107 = tpu.memref_slice %arg2[%dma_start3A_105, %dma_start3A_106] : memref<10000x128xf32, #tpu.memory_space<hbm>> -> memref<10000x128xf32, #tpu.memory_space<hbm>>
      tpu.enqueue_indirect_dma source(%dma_start3A_107 : memref<10000x128xf32, #tpu.memory_space<hbm>>) target(%arg10 : memref<64x128xf32, #tpu.memory_space<vmem>>) offsets(%dma_start3A_104 : memref<64xi32, #tpu.memory_space<vmem>>) semaphore(%arg15 : memref<!tpu.dma_semaphore, #tpu.memory_space<semaphore_mem>>)
      %dma_wait3A_108 = arith.constant 0 : i32
      %dma_wait3A_109 = arith.constant 0 : i32
      %dma_wait3A_110 = tpu.memref_slice %arg7[%dma_wait3A_108, %dma_wait3A_109] : memref<80x128xi32, #tpu.memory_space<vmem>> -> memref<1x64xi32, #tpu.memory_space<vmem>>
      %dma_wait3A_111 = tpu.memref_squeeze %dma_wait3A_110 : memref<1x64xi32, #tpu.memory_space<vmem>> -> memref<64xi32, #tpu.memory_space<vmem>>
      %dma_wait3A_112 = arith.constant 0 : i32
      %dma_wait3A_113 = arith.constant 0 : i32
      %dma_wait3A_114 = tpu.memref_slice %arg2[%dma_wait3A_112, %dma_wait3A_113] : memref<10000x128xf32, #tpu.memory_space<hbm>> -> memref<10000x128xf32, #tpu.memory_space<hbm>>
      tpu.wait_indirect_dma semaphore(%arg16 : memref<!tpu.dma_semaphore, #tpu.memory_space<semaphore_mem>>) src(%dma_wait3A_114 : memref<10000x128xf32, #tpu.memory_space<hbm>>) dst(%arg11 : memref<64x128xf32, #tpu.memory_space<vmem>>)
      %run_scoped3A_115 = arith.constant 2 : i32
      "tpu.region"() ({
        %run_scoped3A_148 = tpu.sem_alloc : memref<!tpu.dma_semaphore, #tpu.memory_space<semaphore_mem>>
        %dma_start3A_149 = arith.constant 0 : i32
        %dma_start3A_150 = tpu.memref_slice %arg8[%run_scoped3A_115, %dma_start3A_149] : memref<4x64xi32, #tpu.memory_space<vmem>> -> memref<1x64xi32, #tpu.memory_space<vmem>>
        %dma_start3A_151 = tpu.memref_squeeze %dma_start3A_150 : memref<1x64xi32, #tpu.memory_space<vmem>> -> memref<64xi32, #tpu.memory_space<vmem>>
        %dma_start3A_152 = arith.constant 0 : i32
        %dma_start3A_153 = arith.constant 0 : i32
        %dma_start3A_154 = tpu.memref_slice %arg13[%dma_start3A_152, %dma_start3A_153] : memref<10112x128xf32, #tpu.memory_space<vmem_shared>> -> memref<10112x128xf32, #tpu.memory_space<vmem_shared>>
        tpu.enqueue_indirect_dma source(%arg11 : memref<64x128xf32, #tpu.memory_space<vmem>>) target(%dma_start3A_154 : memref<10112x128xf32, #tpu.memory_space<vmem_shared>>) offsets(%dma_start3A_151 : memref<64xi32, #tpu.memory_space<vmem>>) semaphore(%run_scoped3A_148 : memref<!tpu.dma_semaphore, #tpu.memory_space<semaphore_mem>>) {add = true}
        %dma_wait3A_155 = arith.constant 0 : i32
        %dma_wait3A_156 = tpu.memref_slice %arg8[%run_scoped3A_115, %dma_wait3A_155] : memref<4x64xi32, #tpu.memory_space<vmem>> -> memref<1x64xi32, #tpu.memory_space<vmem>>
        %dma_wait3A_157 = tpu.memref_squeeze %dma_wait3A_156 : memref<1x64xi32, #tpu.memory_space<vmem>> -> memref<64xi32, #tpu.memory_space<vmem>>
        %dma_wait3A_158 = arith.constant 0 : i32
        %dma_wait3A_159 = arith.constant 0 : i32
        %dma_wait3A_160 = tpu.memref_slice %arg13[%dma_wait3A_158, %dma_wait3A_159] : memref<10112x128xf32, #tpu.memory_space<vmem_shared>> -> memref<10112x128xf32, #tpu.memory_space<vmem_shared>>
        tpu.wait_indirect_dma semaphore(%run_scoped3A_148 : memref<!tpu.dma_semaphore, #tpu.memory_space<semaphore_mem>>) src(%arg11 : memref<64x128xf32, #tpu.memory_space<vmem>>) dst(%dma_wait3A_160 : memref<10112x128xf32, #tpu.memory_space<vmem_shared>>)
        tpu.yield
      }) : () -> ()
      %mul3A_116 = arith.constant 2 : i32
      %mul3A_117 = arith.muli %mul3A_116, %scan3A_67 : i32
      %add3A_118 = arith.constant 3 : i32
      %add3A_119 = arith.addi %mul3A_117, %add3A_118 : i32
      %rem3A_120 = arith.constant 80 : i32
      %rem3A_121 = arith.remsi %add3A_119, %rem3A_120 : i32
      %dma_start3A_122 = arith.constant 0 : i32
      %dma_start3A_123 = tpu.memref_slice %arg7[%rem3A_121, %dma_start3A_122] : memref<80x128xi32, #tpu.memory_space<vmem>> -> memref<1x64xi32, #tpu.memory_space<vmem>>
      %dma_start3A_124 = tpu.memref_squeeze %dma_start3A_123 : memref<1x64xi32, #tpu.memory_space<vmem>> -> memref<64xi32, #tpu.memory_space<vmem>>
      %dma_start3A_125 = arith.constant 0 : i32
      %dma_start3A_126 = arith.constant 0 : i32
      %dma_start3A_127 = tpu.memref_slice %arg2[%dma_start3A_125, %dma_start3A_126] : memref<10000x128xf32, #tpu.memory_space<hbm>> -> memref<10000x128xf32, #tpu.memory_space<hbm>>
      tpu.enqueue_indirect_dma source(%dma_start3A_127 : memref<10000x128xf32, #tpu.memory_space<hbm>>) target(%arg11 : memref<64x128xf32, #tpu.memory_space<vmem>>) offsets(%dma_start3A_124 : memref<64xi32, #tpu.memory_space<vmem>>) semaphore(%arg16 : memref<!tpu.dma_semaphore, #tpu.memory_space<semaphore_mem>>)
      %dma_wait3A_128 = arith.constant 0 : i32
      %dma_wait3A_129 = arith.constant 0 : i32
      %dma_wait3A_130 = tpu.memref_slice %arg7[%dma_wait3A_128, %dma_wait3A_129] : memref<80x128xi32, #tpu.memory_space<vmem>> -> memref<1x64xi32, #tpu.memory_space<vmem>>
      %dma_wait3A_131 = tpu.memref_squeeze %dma_wait3A_130 : memref<1x64xi32, #tpu.memory_space<vmem>> -> memref<64xi32, #tpu.memory_space<vmem>>
      %dma_wait3A_132 = arith.constant 0 : i32
      %dma_wait3A_133 = arith.constant 0 : i32
      %dma_wait3A_134 = tpu.memref_slice %arg2[%dma_wait3A_132, %dma_wait3A_133] : memref<10000x128xf32, #tpu.memory_space<hbm>> -> memref<10000x128xf32, #tpu.memory_space<hbm>>
      tpu.wait_indirect_dma semaphore(%arg17 : memref<!tpu.dma_semaphore, #tpu.memory_space<semaphore_mem>>) src(%dma_wait3A_134 : memref<10000x128xf32, #tpu.memory_space<hbm>>) dst(%arg12 : memref<64x128xf32, #tpu.memory_space<vmem>>)
      %run_scoped3A_135 = arith.constant 3 : i32
      "tpu.region"() ({
        %run_scoped3A_148 = tpu.sem_alloc : memref<!tpu.dma_semaphore, #tpu.memory_space<semaphore_mem>>
        %dma_start3A_149 = arith.constant 0 : i32
        %dma_start3A_150 = tpu.memref_slice %arg8[%run_scoped3A_135, %dma_start3A_149] : memref<4x64xi32, #tpu.memory_space<vmem>> -> memref<1x64xi32, #tpu.memory_space<vmem>>
        %dma_start3A_151 = tpu.memref_squeeze %dma_start3A_150 : memref<1x64xi32, #tpu.memory_space<vmem>> -> memref<64xi32, #tpu.memory_space<vmem>>
        %dma_start3A_152 = arith.constant 0 : i32
        %dma_start3A_153 = arith.constant 0 : i32
        %dma_start3A_154 = tpu.memref_slice %arg13[%dma_start3A_152, %dma_start3A_153] : memref<10112x128xf32, #tpu.memory_space<vmem_shared>> -> memref<10112x128xf32, #tpu.memory_space<vmem_shared>>
        tpu.enqueue_indirect_dma source(%arg12 : memref<64x128xf32, #tpu.memory_space<vmem>>) target(%dma_start3A_154 : memref<10112x128xf32, #tpu.memory_space<vmem_shared>>) offsets(%dma_start3A_151 : memref<64xi32, #tpu.memory_space<vmem>>) semaphore(%run_scoped3A_148 : memref<!tpu.dma_semaphore, #tpu.memory_space<semaphore_mem>>) {add = true}
        %dma_wait3A_155 = arith.constant 0 : i32
        %dma_wait3A_156 = tpu.memref_slice %arg8[%run_scoped3A_135, %dma_wait3A_155] : memref<4x64xi32, #tpu.memory_space<vmem>> -> memref<1x64xi32, #tpu.memory_space<vmem>>
        %dma_wait3A_157 = tpu.memref_squeeze %dma_wait3A_156 : memref<1x64xi32, #tpu.memory_space<vmem>> -> memref<64xi32, #tpu.memory_space<vmem>>
        %dma_wait3A_158 = arith.constant 0 : i32
        %dma_wait3A_159 = arith.constant 0 : i32
        %dma_wait3A_160 = tpu.memref_slice %arg13[%dma_wait3A_158, %dma_wait3A_159] : memref<10112x128xf32, #tpu.memory_space<vmem_shared>> -> memref<10112x128xf32, #tpu.memory_space<vmem_shared>>
        tpu.wait_indirect_dma semaphore(%run_scoped3A_148 : memref<!tpu.dma_semaphore, #tpu.memory_space<semaphore_mem>>) src(%arg12 : memref<64x128xf32, #tpu.memory_space<vmem>>) dst(%dma_wait3A_160 : memref<10112x128xf32, #tpu.memory_space<vmem_shared>>)
        tpu.yield
      }) : () -> ()
      %mul3A_136 = arith.constant 2 : i32
      %mul3A_137 = arith.muli %mul3A_136, %scan3A_67 : i32
      %add3A_138 = arith.constant 3 : i32
      %add3A_139 = arith.addi %mul3A_137, %add3A_138 : i32
      %rem3A_140 = arith.constant 80 : i32
      %rem3A_141 = arith.remsi %add3A_139, %rem3A_140 : i32
      %dma_start3A_142 = arith.constant 64 : i32
      %dma_start3A_143 = tpu.memref_slice %arg7[%rem3A_141, %dma_start3A_142] : memref<80x128xi32, #tpu.memory_space<vmem>> -> memref<1x64xi32, #tpu.memory_space<vmem>>
      %dma_start3A_144 = tpu.memref_squeeze %dma_start3A_143 : memref<1x64xi32, #tpu.memory_space<vmem>> -> memref<64xi32, #tpu.memory_space<vmem>>
      %dma_start3A_145 = arith.constant 0 : i32
      %dma_start3A_146 = arith.constant 0 : i32
      %dma_start3A_147 = tpu.memref_slice %arg2[%dma_start3A_145, %dma_start3A_146] : memref<10000x128xf32, #tpu.memory_space<hbm>> -> memref<10000x128xf32, #tpu.memory_space<hbm>>
      tpu.enqueue_indirect_dma source(%dma_start3A_147 : memref<10000x128xf32, #tpu.memory_space<hbm>>) target(%arg12 : memref<64x128xf32, #tpu.memory_space<vmem>>) offsets(%dma_start3A_144 : memref<64xi32, #tpu.memory_space<vmem>>) semaphore(%arg17 : memref<!tpu.dma_semaphore, #tpu.memory_space<semaphore_mem>>)
    }
    %scan3A_34 = arith.constant 40 : i32
    %dma_wait3A = arith.constant 0 : i32
    %dma_wait3A_35 = arith.constant 0 : i32
    %dma_wait3A_36 = tpu.memref_slice %arg7[%dma_wait3A, %dma_wait3A_35] : memref<80x128xi32, #tpu.memory_space<vmem>> -> memref<1x64xi32, #tpu.memory_space<vmem>>
    %dma_wait3A_37 = tpu.memref_squeeze %dma_wait3A_36 : memref<1x64xi32, #tpu.memory_space<vmem>> -> memref<64xi32, #tpu.memory_space<vmem>>
    %dma_wait3A_38 = arith.constant 0 : i32
    %dma_wait3A_39 = arith.constant 0 : i32
    %dma_wait3A_40 = tpu.memref_slice %arg2[%dma_wait3A_38, %dma_wait3A_39] : memref<10000x128xf32, #tpu.memory_space<hbm>> -> memref<10000x128xf32, #tpu.memory_space<hbm>>
    tpu.wait_indirect_dma semaphore(%arg14 : memref<!tpu.dma_semaphore, #tpu.memory_space<semaphore_mem>>) src(%dma_wait3A_40 : memref<10000x128xf32, #tpu.memory_space<hbm>>) dst(%arg9 : memref<64x128xf32, #tpu.memory_space<vmem>>)
    %dma_wait3A_41 = arith.constant 0 : i32
    %dma_wait3A_42 = arith.constant 0 : i32
    %dma_wait3A_43 = tpu.memref_slice %arg7[%dma_wait3A_41, %dma_wait3A_42] : memref<80x128xi32, #tpu.memory_space<vmem>> -> memref<1x64xi32, #tpu.memory_space<vmem>>
    %dma_wait3A_44 = tpu.memref_squeeze %dma_wait3A_43 : memref<1x64xi32, #tpu.memory_space<vmem>> -> memref<64xi32, #tpu.memory_space<vmem>>
    %dma_wait3A_45 = arith.constant 0 : i32
    %dma_wait3A_46 = arith.constant 0 : i32
    %dma_wait3A_47 = tpu.memref_slice %arg2[%dma_wait3A_45, %dma_wait3A_46] : memref<10000x128xf32, #tpu.memory_space<hbm>> -> memref<10000x128xf32, #tpu.memory_space<hbm>>
    tpu.wait_indirect_dma semaphore(%arg15 : memref<!tpu.dma_semaphore, #tpu.memory_space<semaphore_mem>>) src(%dma_wait3A_47 : memref<10000x128xf32, #tpu.memory_space<hbm>>) dst(%arg10 : memref<64x128xf32, #tpu.memory_space<vmem>>)
    %dma_wait3A_48 = arith.constant 0 : i32
    %dma_wait3A_49 = arith.constant 0 : i32
    %dma_wait3A_50 = tpu.memref_slice %arg7[%dma_wait3A_48, %dma_wait3A_49] : memref<80x128xi32, #tpu.memory_space<vmem>> -> memref<1x64xi32, #tpu.memory_space<vmem>>
    %dma_wait3A_51 = tpu.memref_squeeze %dma_wait3A_50 : memref<1x64xi32, #tpu.memory_space<vmem>> -> memref<64xi32, #tpu.memory_space<vmem>>
    %dma_wait3A_52 = arith.constant 0 : i32
    %dma_wait3A_53 = arith.constant 0 : i32
    %dma_wait3A_54 = tpu.memref_slice %arg2[%dma_wait3A_52, %dma_wait3A_53] : memref<10000x128xf32, #tpu.memory_space<hbm>> -> memref<10000x128xf32, #tpu.memory_space<hbm>>
    tpu.wait_indirect_dma semaphore(%arg16 : memref<!tpu.dma_semaphore, #tpu.memory_space<semaphore_mem>>) src(%dma_wait3A_54 : memref<10000x128xf32, #tpu.memory_space<hbm>>) dst(%arg11 : memref<64x128xf32, #tpu.memory_space<vmem>>)
    %dma_wait3A_55 = arith.constant 0 : i32
    %dma_wait3A_56 = arith.constant 0 : i32
    %dma_wait3A_57 = tpu.memref_slice %arg7[%dma_wait3A_55, %dma_wait3A_56] : memref<80x128xi32, #tpu.memory_space<vmem>> -> memref<1x64xi32, #tpu.memory_space<vmem>>
    %dma_wait3A_58 = tpu.memref_squeeze %dma_wait3A_57 : memref<1x64xi32, #tpu.memory_space<vmem>> -> memref<64xi32, #tpu.memory_space<vmem>>
    %dma_wait3A_59 = arith.constant 0 : i32
    %dma_wait3A_60 = arith.constant 0 : i32
    %dma_wait3A_61 = tpu.memref_slice %arg2[%dma_wait3A_59, %dma_wait3A_60] : memref<10000x128xf32, #tpu.memory_space<hbm>> -> memref<10000x128xf32, #tpu.memory_space<hbm>>
    tpu.wait_indirect_dma semaphore(%arg17 : memref<!tpu.dma_semaphore, #tpu.memory_space<semaphore_mem>>) src(%dma_wait3A_61 : memref<10000x128xf32, #tpu.memory_space<hbm>>) dst(%arg12 : memref<64x128xf32, #tpu.memory_space<vmem>>)
    %barrier3A_62 = arith.constant 0 : index
    tpu.barrier barrier_id(%barrier3A_62)
    %mul3A_63 = arith.constant 632 : i32
    %mul3A_64 = arith.muli %arg1, %mul3A_63 : i32
    %mul3A_65 = arith.constant 632 : i32
    %mul3A_66 = arith.muli %arg1, %mul3A_65 : i32
    "tpu.region"() ({
      %run_scoped3A = tpu.sem_alloc : memref<!tpu.dma_semaphore, #tpu.memory_space<semaphore_mem>>
      %dma_start3A_67 = arith.constant 0 : i32
      %dma_start3A_68 = tpu.memref_slice %arg6[%arg0, %mul3A_66, %dma_start3A_67] : memref<2x10112x128xf32, #tpu.memory_space<hbm>> -> memref<1x632x128xf32, #tpu.memory_space<hbm>>
      %dma_start3A_69 = tpu.memref_squeeze %dma_start3A_68 : memref<1x632x128xf32, #tpu.memory_space<hbm>> -> memref<632x128xf32, #tpu.memory_space<hbm>>
      %dma_start3A_70 = arith.constant 0 : i32
      %dma_start3A_71 = tpu.memref_slice %arg13[%mul3A_64, %dma_start3A_70] : memref<10112x128xf32, #tpu.memory_space<vmem_shared>> -> memref<632x128xf32, #tpu.memory_space<vmem_shared>>
      tpu.enqueue_dma source(%dma_start3A_71 : memref<632x128xf32, #tpu.memory_space<vmem_shared>>) target(%dma_start3A_69 : memref<632x128xf32, #tpu.memory_space<hbm>>) target_semaphore(%run_scoped3A : memref<!tpu.dma_semaphore, #tpu.memory_space<semaphore_mem>>)
      %dma_wait3A_72 = arith.constant 0 : i32
      %dma_wait3A_73 = tpu.memref_slice %arg6[%arg0, %mul3A_66, %dma_wait3A_72] : memref<2x10112x128xf32, #tpu.memory_space<hbm>> -> memref<1x632x128xf32, #tpu.memory_space<hbm>>
      %dma_wait3A_74 = tpu.memref_squeeze %dma_wait3A_73 : memref<1x632x128xf32, #tpu.memory_space<hbm>> -> memref<632x128xf32, #tpu.memory_space<hbm>>
      %dma_wait3A_75 = arith.constant 0 : i32
      %dma_wait3A_76 = tpu.memref_slice %arg13[%mul3A_64, %dma_wait3A_75] : memref<10112x128xf32, #tpu.memory_space<vmem_shared>> -> memref<632x128xf32, #tpu.memory_space<vmem_shared>>
      tpu.wait_dma2 semaphore(%run_scoped3A : memref<!tpu.dma_semaphore, #tpu.memory_space<semaphore_mem>>) src(%dma_wait3A_76 : memref<632x128xf32, #tpu.memory_space<vmem_shared>>) dst(%dma_wait3A_74 : memref<632x128xf32, #tpu.memory_space<hbm>>)
      tpu.yield
    }) : () -> ()
    return
  }
}

#map = affine_map<(d0, d1) -> (0, 0)>
#map1 = affine_map<(d0, d1) -> (0, 0, 0)>
module attributes {stable_mosaic.version = 14 : i64} {
  func.func @edge_kernel(%arg0: i32, %arg1: i32, %arg2: memref<10000x128xf32, #tpu.memory_space<hbm>>, %arg3: memref<32x80x128xi32, #tpu.memory_space<hbm>>, %arg4: memref<32x160x64xi32, #tpu.memory_space<hbm>>, %arg5: memref<632x128xf32, #tpu.memory_space<hbm>>, %arg6: memref<2x10112x128xf32, #tpu.memory_space<hbm>>, %arg7: memref<80x128xi32, #tpu.memory_space<vmem>>, %arg8: memref<4x64xi32, #tpu.memory_space<vmem>>, %arg9: memref<64x128xf32, #tpu.memory_space<vmem>>, %arg10: memref<64x128xf32, #tpu.memory_space<vmem>>, %arg11: memref<64x128xf32, #tpu.memory_space<vmem>>, %arg12: memref<64x128xf32, #tpu.memory_space<vmem>>, %arg13: memref<10112x128xf32, #tpu.memory_space<vmem_shared>>, %arg14: memref<!tpu.dma_semaphore, #tpu.memory_space<semaphore_mem>>, %arg15: memref<!tpu.dma_semaphore, #tpu.memory_space<semaphore_mem>>, %arg16: memref<!tpu.dma_semaphore, #tpu.memory_space<semaphore_mem>>, %arg17: memref<!tpu.dma_semaphore, #tpu.memory_space<semaphore_mem>>) attributes {dimension_semantics = [#tpu.dimension_semantics<core_parallel>, #tpu.dimension_semantics<subcore_parallel>], iteration_bounds = array<i64: 2, 16>, scalar_prefetch = 0 : i64, scratch_operands = 11 : i64, tpu.core_type = #tpu.core_type<sc_vector_subcore>, window_params = [{transform_indices = #map}, {transform_indices = #map1}, {transform_indices = #map1}, {transform_indices = #map}, {transform_indices = #map1}]} {
    %mul3A = arith.constant 2 : i32
    %mul3A_0 = arith.muli %arg1, %mul3A : i32
    %add3A = arith.addi %mul3A_0, %arg0 : i32
    "tpu.region"() ({
      %run_scoped3A = tpu.sem_alloc : memref<!tpu.dma_semaphore, #tpu.memory_space<semaphore_mem>>
      %dma_start3A_67 = arith.constant 0 : i32
      %dma_start3A_68 = arith.constant 0 : i32
      %dma_start3A_69 = tpu.memref_slice %arg3[%add3A, %dma_start3A_67, %dma_start3A_68] : memref<32x80x128xi32, #tpu.memory_space<hbm>> -> memref<1x80x128xi32, #tpu.memory_space<hbm>>
      %dma_start3A_70 = tpu.memref_squeeze %dma_start3A_69 : memref<1x80x128xi32, #tpu.memory_space<hbm>> -> memref<80x128xi32, #tpu.memory_space<hbm>>
      %dma_start3A_71 = arith.constant 0 : i32
      %dma_start3A_72 = arith.constant 0 : i32
      %dma_start3A_73 = tpu.memref_slice %arg3[%add3A, %dma_start3A_71, %dma_start3A_72] : memref<32x80x128xi32, #tpu.memory_space<hbm>> -> memref<1x80x128xi32, #tpu.memory_space<hbm>>
      %dma_start3A_74 = tpu.memref_squeeze %dma_start3A_73 : memref<1x80x128xi32, #tpu.memory_space<hbm>> -> memref<80x128xi32, #tpu.memory_space<hbm>>
      tpu.enqueue_dma source(%dma_start3A_74 : memref<80x128xi32, #tpu.memory_space<hbm>>) target(%arg7 : memref<80x128xi32, #tpu.memory_space<vmem>>) target_semaphore(%run_scoped3A : memref<!tpu.dma_semaphore, #tpu.memory_space<semaphore_mem>>)
      %dma_wait3A_75 = arith.constant 0 : i32
      %dma_wait3A_76 = arith.constant 0 : i32
      %dma_wait3A_77 = tpu.memref_slice %arg3[%add3A, %dma_wait3A_75, %dma_wait3A_76] : memref<32x80x128xi32, #tpu.memory_space<hbm>> -> memref<1x80x128xi32, #tpu.memory_space<hbm>>
      %dma_wait3A_78 = tpu.memref_squeeze %dma_wait3A_77 : memref<1x80x128xi32, #tpu.memory_space<hbm>> -> memref<80x128xi32, #tpu.memory_space<hbm>>
      %dma_wait3A_79 = arith.constant 0 : i32
      %dma_wait3A_80 = arith.constant 0 : i32
      %dma_wait3A_81 = tpu.memref_slice %arg3[%add3A, %dma_wait3A_79, %dma_wait3A_80] : memref<32x80x128xi32, #tpu.memory_space<hbm>> -> memref<1x80x128xi32, #tpu.memory_space<hbm>>
      %dma_wait3A_82 = tpu.memref_squeeze %dma_wait3A_81 : memref<1x80x128xi32, #tpu.memory_space<hbm>> -> memref<80x128xi32, #tpu.memory_space<hbm>>
      tpu.wait_dma2 semaphore(%run_scoped3A : memref<!tpu.dma_semaphore, #tpu.memory_space<semaphore_mem>>) src(%dma_wait3A_82 : memref<80x128xi32, #tpu.memory_space<hbm>>) dst(%arg7 : memref<80x128xi32, #tpu.memory_space<vmem>>)
      tpu.yield
    }) : () -> ()
    %mul3A_1 = arith.constant 632 : i32
    %mul3A_2 = arith.muli %arg1, %mul3A_1 : i32
    "tpu.region"() ({
      %run_scoped3A = tpu.sem_alloc : memref<!tpu.dma_semaphore, #tpu.memory_space<semaphore_mem>>
      %dma_start3A_67 = arith.constant 0 : i32
      %dma_start3A_68 = tpu.memref_slice %arg13[%mul3A_2, %dma_start3A_67] : memref<10112x128xf32, #tpu.memory_space<vmem_shared>> -> memref<632x128xf32, #tpu.memory_space<vmem_shared>>
      tpu.enqueue_dma source(%arg5 : memref<632x128xf32, #tpu.memory_space<hbm>>) target(%dma_start3A_68 : memref<632x128xf32, #tpu.memory_space<vmem_shared>>) target_semaphore(%run_scoped3A : memref<!tpu.dma_semaphore, #tpu.memory_space<semaphore_mem>>)
      %dma_wait3A_69 = arith.constant 0 : i32
      %dma_wait3A_70 = tpu.memref_slice %arg13[%mul3A_2, %dma_wait3A_69] : memref<10112x128xf32, #tpu.memory_space<vmem_shared>> -> memref<632x128xf32, #tpu.memory_space<vmem_shared>>
      tpu.wait_dma2 semaphore(%run_scoped3A : memref<!tpu.dma_semaphore, #tpu.memory_space<semaphore_mem>>) src(%arg5 : memref<632x128xf32, #tpu.memory_space<hbm>>) dst(%dma_wait3A_70 : memref<632x128xf32, #tpu.memory_space<vmem_shared>>)
      tpu.yield
    }) : () -> ()
    %barrier3A = arith.constant 0 : index
    tpu.barrier barrier_id(%barrier3A)
    %dma_start3A = arith.constant 0 : i32
    %dma_start3A_3 = arith.constant 0 : i32
    %dma_start3A_4 = tpu.memref_slice %arg7[%dma_start3A, %dma_start3A_3] : memref<80x128xi32, #tpu.memory_space<vmem>> -> memref<1x64xi32, #tpu.memory_space<vmem>>
    %dma_start3A_5 = tpu.memref_squeeze %dma_start3A_4 : memref<1x64xi32, #tpu.memory_space<vmem>> -> memref<64xi32, #tpu.memory_space<vmem>>
    %dma_start3A_6 = arith.constant 0 : i32
    %dma_start3A_7 = arith.constant 0 : i32
    %dma_start3A_8 = tpu.memref_slice %arg2[%dma_start3A_6, %dma_start3A_7] : memref<10000x128xf32, #tpu.memory_space<hbm>> -> memref<10000x128xf32, #tpu.memory_space<hbm>>
    tpu.enqueue_indirect_dma source(%dma_start3A_8 : memref<10000x128xf32, #tpu.memory_space<hbm>>) target(%arg9 : memref<64x128xf32, #tpu.memory_space<vmem>>) offsets(%dma_start3A_5 : memref<64xi32, #tpu.memory_space<vmem>>) semaphore(%arg14 : memref<!tpu.dma_semaphore, #tpu.memory_space<semaphore_mem>>)
    %dma_start3A_9 = arith.constant 0 : i32
    %dma_start3A_10 = arith.constant 64 : i32
    %dma_start3A_11 = tpu.memref_slice %arg7[%dma_start3A_9, %dma_start3A_10] : memref<80x128xi32, #tpu.memory_space<vmem>> -> memref<1x64xi32, #tpu.memory_space<vmem>>
    %dma_start3A_12 = tpu.memref_squeeze %dma_start3A_11 : memref<1x64xi32, #tpu.memory_space<vmem>> -> memref<64xi32, #tpu.memory_space<vmem>>
    %dma_start3A_13 = arith.constant 0 : i32
    %dma_start3A_14 = arith.constant 0 : i32
    %dma_start3A_15 = tpu.memref_slice %arg2[%dma_start3A_13, %dma_start3A_14] : memref<10000x128xf32, #tpu.memory_space<hbm>> -> memref<10000x128xf32, #tpu.memory_space<hbm>>
    tpu.enqueue_indirect_dma source(%dma_start3A_15 : memref<10000x128xf32, #tpu.memory_space<hbm>>) target(%arg10 : memref<64x128xf32, #tpu.memory_space<vmem>>) offsets(%dma_start3A_12 : memref<64xi32, #tpu.memory_space<vmem>>) semaphore(%arg15 : memref<!tpu.dma_semaphore, #tpu.memory_space<semaphore_mem>>)
    %dma_start3A_16 = arith.constant 1 : i32
    %dma_start3A_17 = arith.constant 0 : i32
    %dma_start3A_18 = tpu.memref_slice %arg7[%dma_start3A_16, %dma_start3A_17] : memref<80x128xi32, #tpu.memory_space<vmem>> -> memref<1x64xi32, #tpu.memory_space<vmem>>
    %dma_start3A_19 = tpu.memref_squeeze %dma_start3A_18 : memref<1x64xi32, #tpu.memory_space<vmem>> -> memref<64xi32, #tpu.memory_space<vmem>>
    %dma_start3A_20 = arith.constant 0 : i32
    %dma_start3A_21 = arith.constant 0 : i32
    %dma_start3A_22 = tpu.memref_slice %arg2[%dma_start3A_20, %dma_start3A_21] : memref<10000x128xf32, #tpu.memory_space<hbm>> -> memref<10000x128xf32, #tpu.memory_space<hbm>>
    tpu.enqueue_indirect_dma source(%dma_start3A_22 : memref<10000x128xf32, #tpu.memory_space<hbm>>) target(%arg11 : memref<64x128xf32, #tpu.memory_space<vmem>>) offsets(%dma_start3A_19 : memref<64xi32, #tpu.memory_space<vmem>>) semaphore(%arg16 : memref<!tpu.dma_semaphore, #tpu.memory_space<semaphore_mem>>)
    %dma_start3A_23 = arith.constant 1 : i32
    %dma_start3A_24 = arith.constant 64 : i32
    %dma_start3A_25 = tpu.memref_slice %arg7[%dma_start3A_23, %dma_start3A_24] : memref<80x128xi32, #tpu.memory_space<vmem>> -> memref<1x64xi32, #tpu.memory_space<vmem>>
    %dma_start3A_26 = tpu.memref_squeeze %dma_start3A_25 : memref<1x64xi32, #tpu.memory_space<vmem>> -> memref<64xi32, #tpu.memory_space<vmem>>
    %dma_start3A_27 = arith.constant 0 : i32
    %dma_start3A_28 = arith.constant 0 : i32
    %dma_start3A_29 = tpu.memref_slice %arg2[%dma_start3A_27, %dma_start3A_28] : memref<10000x128xf32, #tpu.memory_space<hbm>> -> memref<10000x128xf32, #tpu.memory_space<hbm>>
    tpu.enqueue_indirect_dma source(%dma_start3A_29 : memref<10000x128xf32, #tpu.memory_space<hbm>>) target(%arg12 : memref<64x128xf32, #tpu.memory_space<vmem>>) offsets(%dma_start3A_26 : memref<64xi32, #tpu.memory_space<vmem>>) semaphore(%arg17 : memref<!tpu.dma_semaphore, #tpu.memory_space<semaphore_mem>>)
    %scan3A = arith.constant 0 : i32
    %scan3A_30 = arith.constant 0 : i32
    %scan3A_31 = arith.constant 40 : i32
    %scan3A_32 = arith.addi %scan3A_30, %scan3A_31 : i32
    %scan3A_33 = arith.constant 1 : i32
    scf.for %scan3A_67 = %scan3A_30 to %scan3A_32 step %scan3A_33  : i32 {
      %mul3A_68 = arith.constant 4 : i32
      %mul3A_69 = arith.muli %scan3A_67, %mul3A_68 : i32
      "tpu.region"() ({
        %run_scoped3A_148 = tpu.sem_alloc : memref<!tpu.dma_semaphore, #tpu.memory_space<semaphore_mem>>
        %dma_start3A_149 = arith.constant 0 : i32
        %dma_start3A_150 = tpu.memref_slice %arg4[%add3A, %mul3A_69, %dma_start3A_149] : memref<32x160x64xi32, #tpu.memory_space<hbm>> -> memref<1x4x64xi32, #tpu.memory_space<hbm>>
        %dma_start3A_151 = tpu.memref_squeeze %dma_start3A_150 : memref<1x4x64xi32, #tpu.memory_space<hbm>> -> memref<4x64xi32, #tpu.memory_space<hbm>>
        %dma_start3A_152 = arith.constant 0 : i32
        %dma_start3A_153 = tpu.memref_slice %arg4[%add3A, %mul3A_69, %dma_start3A_152] : memref<32x160x64xi32, #tpu.memory_space<hbm>> -> memref<1x4x64xi32, #tpu.memory_space<hbm>>
        %dma_start3A_154 = tpu.memref_squeeze %dma_start3A_153 : memref<1x4x64xi32, #tpu.memory_space<hbm>> -> memref<4x64xi32, #tpu.memory_space<hbm>>
        tpu.enqueue_dma source(%dma_start3A_154 : memref<4x64xi32, #tpu.memory_space<hbm>>) target(%arg8 : memref<4x64xi32, #tpu.memory_space<vmem>>) target_semaphore(%run_scoped3A_148 : memref<!tpu.dma_semaphore, #tpu.memory_space<semaphore_mem>>)
        %dma_wait3A_155 = arith.constant 0 : i32
        %dma_wait3A_156 = tpu.memref_slice %arg4[%add3A, %mul3A_69, %dma_wait3A_155] : memref<32x160x64xi32, #tpu.memory_space<hbm>> -> memref<1x4x64xi32, #tpu.memory_space<hbm>>
        %dma_wait3A_157 = tpu.memref_squeeze %dma_wait3A_156 : memref<1x4x64xi32, #tpu.memory_space<hbm>> -> memref<4x64xi32, #tpu.memory_space<hbm>>
        %dma_wait3A_158 = arith.constant 0 : i32
        %dma_wait3A_159 = tpu.memref_slice %arg4[%add3A, %mul3A_69, %dma_wait3A_158] : memref<32x160x64xi32, #tpu.memory_space<hbm>> -> memref<1x4x64xi32, #tpu.memory_space<hbm>>
        %dma_wait3A_160 = tpu.memref_squeeze %dma_wait3A_159 : memref<1x4x64xi32, #tpu.memory_space<hbm>> -> memref<4x64xi32, #tpu.memory_space<hbm>>
        tpu.wait_dma2 semaphore(%run_scoped3A_148 : memref<!tpu.dma_semaphore, #tpu.memory_space<semaphore_mem>>) src(%dma_wait3A_160 : memref<4x64xi32, #tpu.memory_space<hbm>>) dst(%arg8 : memref<4x64xi32, #tpu.memory_space<vmem>>)
        tpu.yield
      }) : () -> ()
      %dma_wait3A_70 = arith.constant 0 : i32
      %dma_wait3A_71 = arith.constant 0 : i32
      %dma_wait3A_72 = tpu.memref_slice %arg7[%dma_wait3A_70, %dma_wait3A_71] : memref<80x128xi32, #tpu.memory_space<vmem>> -> memref<1x64xi32, #tpu.memory_space<vmem>>
      %dma_wait3A_73 = tpu.memref_squeeze %dma_wait3A_72 : memref<1x64xi32, #tpu.memory_space<vmem>> -> memref<64xi32, #tpu.memory_space<vmem>>
      %dma_wait3A_74 = arith.constant 0 : i32
      %dma_wait3A_75 = arith.constant 0 : i32
      %dma_wait3A_76 = tpu.memref_slice %arg2[%dma_wait3A_74, %dma_wait3A_75] : memref<10000x128xf32, #tpu.memory_space<hbm>> -> memref<10000x128xf32, #tpu.memory_space<hbm>>
      tpu.wait_indirect_dma semaphore(%arg14 : memref<!tpu.dma_semaphore, #tpu.memory_space<semaphore_mem>>) src(%dma_wait3A_76 : memref<10000x128xf32, #tpu.memory_space<hbm>>) dst(%arg9 : memref<64x128xf32, #tpu.memory_space<vmem>>)
      %run_scoped3A = arith.constant 0 : i32
      "tpu.region"() ({
        %run_scoped3A_148 = tpu.sem_alloc : memref<!tpu.dma_semaphore, #tpu.memory_space<semaphore_mem>>
        %dma_start3A_149 = arith.constant 0 : i32
        %dma_start3A_150 = tpu.memref_slice %arg8[%run_scoped3A, %dma_start3A_149] : memref<4x64xi32, #tpu.memory_space<vmem>> -> memref<1x64xi32, #tpu.memory_space<vmem>>
        %dma_start3A_151 = tpu.memref_squeeze %dma_start3A_150 : memref<1x64xi32, #tpu.memory_space<vmem>> -> memref<64xi32, #tpu.memory_space<vmem>>
        %dma_start3A_152 = arith.constant 0 : i32
        %dma_start3A_153 = arith.constant 0 : i32
        %dma_start3A_154 = tpu.memref_slice %arg13[%dma_start3A_152, %dma_start3A_153] : memref<10112x128xf32, #tpu.memory_space<vmem_shared>> -> memref<10112x128xf32, #tpu.memory_space<vmem_shared>>
        tpu.enqueue_indirect_dma source(%arg9 : memref<64x128xf32, #tpu.memory_space<vmem>>) target(%dma_start3A_154 : memref<10112x128xf32, #tpu.memory_space<vmem_shared>>) offsets(%dma_start3A_151 : memref<64xi32, #tpu.memory_space<vmem>>) semaphore(%run_scoped3A_148 : memref<!tpu.dma_semaphore, #tpu.memory_space<semaphore_mem>>) {add = true}
        %dma_wait3A_155 = arith.constant 0 : i32
        %dma_wait3A_156 = tpu.memref_slice %arg8[%run_scoped3A, %dma_wait3A_155] : memref<4x64xi32, #tpu.memory_space<vmem>> -> memref<1x64xi32, #tpu.memory_space<vmem>>
        %dma_wait3A_157 = tpu.memref_squeeze %dma_wait3A_156 : memref<1x64xi32, #tpu.memory_space<vmem>> -> memref<64xi32, #tpu.memory_space<vmem>>
        %dma_wait3A_158 = arith.constant 0 : i32
        %dma_wait3A_159 = arith.constant 0 : i32
        %dma_wait3A_160 = tpu.memref_slice %arg13[%dma_wait3A_158, %dma_wait3A_159] : memref<10112x128xf32, #tpu.memory_space<vmem_shared>> -> memref<10112x128xf32, #tpu.memory_space<vmem_shared>>
        tpu.wait_indirect_dma semaphore(%run_scoped3A_148 : memref<!tpu.dma_semaphore, #tpu.memory_space<semaphore_mem>>) src(%arg9 : memref<64x128xf32, #tpu.memory_space<vmem>>) dst(%dma_wait3A_160 : memref<10112x128xf32, #tpu.memory_space<vmem_shared>>)
        tpu.yield
      }) : () -> ()
      %mul3A_77 = arith.constant 2 : i32
      %mul3A_78 = arith.muli %mul3A_77, %scan3A_67 : i32
      %add3A_79 = arith.constant 2 : i32
      %add3A_80 = arith.addi %mul3A_78, %add3A_79 : i32
      %rem3A = arith.constant 80 : i32
      %rem3A_81 = arith.remsi %add3A_80, %rem3A : i32
      %dma_start3A_82 = arith.constant 0 : i32
      %dma_start3A_83 = tpu.memref_slice %arg7[%rem3A_81, %dma_start3A_82] : memref<80x128xi32, #tpu.memory_space<vmem>> -> memref<1x64xi32, #tpu.memory_space<vmem>>
      %dma_start3A_84 = tpu.memref_squeeze %dma_start3A_83 : memref<1x64xi32, #tpu.memory_space<vmem>> -> memref<64xi32, #tpu.memory_space<vmem>>
      %dma_start3A_85 = arith.constant 0 : i32
      %dma_start3A_86 = arith.constant 0 : i32
      %dma_start3A_87 = tpu.memref_slice %arg2[%dma_start3A_85, %dma_start3A_86] : memref<10000x128xf32, #tpu.memory_space<hbm>> -> memref<10000x128xf32, #tpu.memory_space<hbm>>
      tpu.enqueue_indirect_dma source(%dma_start3A_87 : memref<10000x128xf32, #tpu.memory_space<hbm>>) target(%arg9 : memref<64x128xf32, #tpu.memory_space<vmem>>) offsets(%dma_start3A_84 : memref<64xi32, #tpu.memory_space<vmem>>) semaphore(%arg14 : memref<!tpu.dma_semaphore, #tpu.memory_space<semaphore_mem>>)
      %dma_wait3A_88 = arith.constant 0 : i32
      %dma_wait3A_89 = arith.constant 0 : i32
      %dma_wait3A_90 = tpu.memref_slice %arg7[%dma_wait3A_88, %dma_wait3A_89] : memref<80x128xi32, #tpu.memory_space<vmem>> -> memref<1x64xi32, #tpu.memory_space<vmem>>
      %dma_wait3A_91 = tpu.memref_squeeze %dma_wait3A_90 : memref<1x64xi32, #tpu.memory_space<vmem>> -> memref<64xi32, #tpu.memory_space<vmem>>
      %dma_wait3A_92 = arith.constant 0 : i32
      %dma_wait3A_93 = arith.constant 0 : i32
      %dma_wait3A_94 = tpu.memref_slice %arg2[%dma_wait3A_92, %dma_wait3A_93] : memref<10000x128xf32, #tpu.memory_space<hbm>> -> memref<10000x128xf32, #tpu.memory_space<hbm>>
      tpu.wait_indirect_dma semaphore(%arg15 : memref<!tpu.dma_semaphore, #tpu.memory_space<semaphore_mem>>) src(%dma_wait3A_94 : memref<10000x128xf32, #tpu.memory_space<hbm>>) dst(%arg10 : memref<64x128xf32, #tpu.memory_space<vmem>>)
      %run_scoped3A_95 = arith.constant 1 : i32
      "tpu.region"() ({
        %run_scoped3A_148 = tpu.sem_alloc : memref<!tpu.dma_semaphore, #tpu.memory_space<semaphore_mem>>
        %dma_start3A_149 = arith.constant 0 : i32
        %dma_start3A_150 = tpu.memref_slice %arg8[%run_scoped3A_95, %dma_start3A_149] : memref<4x64xi32, #tpu.memory_space<vmem>> -> memref<1x64xi32, #tpu.memory_space<vmem>>
        %dma_start3A_151 = tpu.memref_squeeze %dma_start3A_150 : memref<1x64xi32, #tpu.memory_space<vmem>> -> memref<64xi32, #tpu.memory_space<vmem>>
        %dma_start3A_152 = arith.constant 0 : i32
        %dma_start3A_153 = arith.constant 0 : i32
        %dma_start3A_154 = tpu.memref_slice %arg13[%dma_start3A_152, %dma_start3A_153] : memref<10112x128xf32, #tpu.memory_space<vmem_shared>> -> memref<10112x128xf32, #tpu.memory_space<vmem_shared>>
        tpu.enqueue_indirect_dma source(%arg10 : memref<64x128xf32, #tpu.memory_space<vmem>>) target(%dma_start3A_154 : memref<10112x128xf32, #tpu.memory_space<vmem_shared>>) offsets(%dma_start3A_151 : memref<64xi32, #tpu.memory_space<vmem>>) semaphore(%run_scoped3A_148 : memref<!tpu.dma_semaphore, #tpu.memory_space<semaphore_mem>>) {add = true}
        %dma_wait3A_155 = arith.constant 0 : i32
        %dma_wait3A_156 = tpu.memref_slice %arg8[%run_scoped3A_95, %dma_wait3A_155] : memref<4x64xi32, #tpu.memory_space<vmem>> -> memref<1x64xi32, #tpu.memory_space<vmem>>
        %dma_wait3A_157 = tpu.memref_squeeze %dma_wait3A_156 : memref<1x64xi32, #tpu.memory_space<vmem>> -> memref<64xi32, #tpu.memory_space<vmem>>
        %dma_wait3A_158 = arith.constant 0 : i32
        %dma_wait3A_159 = arith.constant 0 : i32
        %dma_wait3A_160 = tpu.memref_slice %arg13[%dma_wait3A_158, %dma_wait3A_159] : memref<10112x128xf32, #tpu.memory_space<vmem_shared>> -> memref<10112x128xf32, #tpu.memory_space<vmem_shared>>
        tpu.wait_indirect_dma semaphore(%run_scoped3A_148 : memref<!tpu.dma_semaphore, #tpu.memory_space<semaphore_mem>>) src(%arg10 : memref<64x128xf32, #tpu.memory_space<vmem>>) dst(%dma_wait3A_160 : memref<10112x128xf32, #tpu.memory_space<vmem_shared>>)
        tpu.yield
      }) : () -> ()
      %mul3A_96 = arith.constant 2 : i32
      %mul3A_97 = arith.muli %mul3A_96, %scan3A_67 : i32
      %add3A_98 = arith.constant 2 : i32
      %add3A_99 = arith.addi %mul3A_97, %add3A_98 : i32
      %rem3A_100 = arith.constant 80 : i32
      %rem3A_101 = arith.remsi %add3A_99, %rem3A_100 : i32
      %dma_start3A_102 = arith.constant 64 : i32
      %dma_start3A_103 = tpu.memref_slice %arg7[%rem3A_101, %dma_start3A_102] : memref<80x128xi32, #tpu.memory_space<vmem>> -> memref<1x64xi32, #tpu.memory_space<vmem>>
      %dma_start3A_104 = tpu.memref_squeeze %dma_start3A_103 : memref<1x64xi32, #tpu.memory_space<vmem>> -> memref<64xi32, #tpu.memory_space<vmem>>
      %dma_start3A_105 = arith.constant 0 : i32
      %dma_start3A_106 = arith.constant 0 : i32
      %dma_start3A_107 = tpu.memref_slice %arg2[%dma_start3A_105, %dma_start3A_106] : memref<10000x128xf32, #tpu.memory_space<hbm>> -> memref<10000x128xf32, #tpu.memory_space<hbm>>
      tpu.enqueue_indirect_dma source(%dma_start3A_107 : memref<10000x128xf32, #tpu.memory_space<hbm>>) target(%arg10 : memref<64x128xf32, #tpu.memory_space<vmem>>) offsets(%dma_start3A_104 : memref<64xi32, #tpu.memory_space<vmem>>) semaphore(%arg15 : memref<!tpu.dma_semaphore, #tpu.memory_space<semaphore_mem>>)
      %dma_wait3A_108 = arith.constant 0 : i32
      %dma_wait3A_109 = arith.constant 0 : i32
      %dma_wait3A_110 = tpu.memref_slice %arg7[%dma_wait3A_108, %dma_wait3A_109] : memref<80x128xi32, #tpu.memory_space<vmem>> -> memref<1x64xi32, #tpu.memory_space<vmem>>
      %dma_wait3A_111 = tpu.memref_squeeze %dma_wait3A_110 : memref<1x64xi32, #tpu.memory_space<vmem>> -> memref<64xi32, #tpu.memory_space<vmem>>
      %dma_wait3A_112 = arith.constant 0 : i32
      %dma_wait3A_113 = arith.constant 0 : i32
      %dma_wait3A_114 = tpu.memref_slice %arg2[%dma_wait3A_112, %dma_wait3A_113] : memref<10000x128xf32, #tpu.memory_space<hbm>> -> memref<10000x128xf32, #tpu.memory_space<hbm>>
      tpu.wait_indirect_dma semaphore(%arg16 : memref<!tpu.dma_semaphore, #tpu.memory_space<semaphore_mem>>) src(%dma_wait3A_114 : memref<10000x128xf32, #tpu.memory_space<hbm>>) dst(%arg11 : memref<64x128xf32, #tpu.memory_space<vmem>>)
      %run_scoped3A_115 = arith.constant 2 : i32
      "tpu.region"() ({
        %run_scoped3A_148 = tpu.sem_alloc : memref<!tpu.dma_semaphore, #tpu.memory_space<semaphore_mem>>
        %dma_start3A_149 = arith.constant 0 : i32
        %dma_start3A_150 = tpu.memref_slice %arg8[%run_scoped3A_115, %dma_start3A_149] : memref<4x64xi32, #tpu.memory_space<vmem>> -> memref<1x64xi32, #tpu.memory_space<vmem>>
        %dma_start3A_151 = tpu.memref_squeeze %dma_start3A_150 : memref<1x64xi32, #tpu.memory_space<vmem>> -> memref<64xi32, #tpu.memory_space<vmem>>
        %dma_start3A_152 = arith.constant 0 : i32
        %dma_start3A_153 = arith.constant 0 : i32
        %dma_start3A_154 = tpu.memref_slice %arg13[%dma_start3A_152, %dma_start3A_153] : memref<10112x128xf32, #tpu.memory_space<vmem_shared>> -> memref<10112x128xf32, #tpu.memory_space<vmem_shared>>
        tpu.enqueue_indirect_dma source(%arg11 : memref<64x128xf32, #tpu.memory_space<vmem>>) target(%dma_start3A_154 : memref<10112x128xf32, #tpu.memory_space<vmem_shared>>) offsets(%dma_start3A_151 : memref<64xi32, #tpu.memory_space<vmem>>) semaphore(%run_scoped3A_148 : memref<!tpu.dma_semaphore, #tpu.memory_space<semaphore_mem>>) {add = true}
        %dma_wait3A_155 = arith.constant 0 : i32
        %dma_wait3A_156 = tpu.memref_slice %arg8[%run_scoped3A_115, %dma_wait3A_155] : memref<4x64xi32, #tpu.memory_space<vmem>> -> memref<1x64xi32, #tpu.memory_space<vmem>>
        %dma_wait3A_157 = tpu.memref_squeeze %dma_wait3A_156 : memref<1x64xi32, #tpu.memory_space<vmem>> -> memref<64xi32, #tpu.memory_space<vmem>>
        %dma_wait3A_158 = arith.constant 0 : i32
        %dma_wait3A_159 = arith.constant 0 : i32
        %dma_wait3A_160 = tpu.memref_slice %arg13[%dma_wait3A_158, %dma_wait3A_159] : memref<10112x128xf32, #tpu.memory_space<vmem_shared>> -> memref<10112x128xf32, #tpu.memory_space<vmem_shared>>
        tpu.wait_indirect_dma semaphore(%run_scoped3A_148 : memref<!tpu.dma_semaphore, #tpu.memory_space<semaphore_mem>>) src(%arg11 : memref<64x128xf32, #tpu.memory_space<vmem>>) dst(%dma_wait3A_160 : memref<10112x128xf32, #tpu.memory_space<vmem_shared>>)
        tpu.yield
      }) : () -> ()
      %mul3A_116 = arith.constant 2 : i32
      %mul3A_117 = arith.muli %mul3A_116, %scan3A_67 : i32
      %add3A_118 = arith.constant 3 : i32
      %add3A_119 = arith.addi %mul3A_117, %add3A_118 : i32
      %rem3A_120 = arith.constant 80 : i32
      %rem3A_121 = arith.remsi %add3A_119, %rem3A_120 : i32
      %dma_start3A_122 = arith.constant 0 : i32
      %dma_start3A_123 = tpu.memref_slice %arg7[%rem3A_121, %dma_start3A_122] : memref<80x128xi32, #tpu.memory_space<vmem>> -> memref<1x64xi32, #tpu.memory_space<vmem>>
      %dma_start3A_124 = tpu.memref_squeeze %dma_start3A_123 : memref<1x64xi32, #tpu.memory_space<vmem>> -> memref<64xi32, #tpu.memory_space<vmem>>
      %dma_start3A_125 = arith.constant 0 : i32
      %dma_start3A_126 = arith.constant 0 : i32
      %dma_start3A_127 = tpu.memref_slice %arg2[%dma_start3A_125, %dma_start3A_126] : memref<10000x128xf32, #tpu.memory_space<hbm>> -> memref<10000x128xf32, #tpu.memory_space<hbm>>
      tpu.enqueue_indirect_dma source(%dma_start3A_127 : memref<10000x128xf32, #tpu.memory_space<hbm>>) target(%arg11 : memref<64x128xf32, #tpu.memory_space<vmem>>) offsets(%dma_start3A_124 : memref<64xi32, #tpu.memory_space<vmem>>) semaphore(%arg16 : memref<!tpu.dma_semaphore, #tpu.memory_space<semaphore_mem>>)
      %dma_wait3A_128 = arith.constant 0 : i32
      %dma_wait3A_129 = arith.constant 0 : i32
      %dma_wait3A_130 = tpu.memref_slice %arg7[%dma_wait3A_128, %dma_wait3A_129] : memref<80x128xi32, #tpu.memory_space<vmem>> -> memref<1x64xi32, #tpu.memory_space<vmem>>
      %dma_wait3A_131 = tpu.memref_squeeze %dma_wait3A_130 : memref<1x64xi32, #tpu.memory_space<vmem>> -> memref<64xi32, #tpu.memory_space<vmem>>
      %dma_wait3A_132 = arith.constant 0 : i32
      %dma_wait3A_133 = arith.constant 0 : i32
      %dma_wait3A_134 = tpu.memref_slice %arg2[%dma_wait3A_132, %dma_wait3A_133] : memref<10000x128xf32, #tpu.memory_space<hbm>> -> memref<10000x128xf32, #tpu.memory_space<hbm>>
      tpu.wait_indirect_dma semaphore(%arg17 : memref<!tpu.dma_semaphore, #tpu.memory_space<semaphore_mem>>) src(%dma_wait3A_134 : memref<10000x128xf32, #tpu.memory_space<hbm>>) dst(%arg12 : memref<64x128xf32, #tpu.memory_space<vmem>>)
      %run_scoped3A_135 = arith.constant 3 : i32
      "tpu.region"() ({
        %run_scoped3A_148 = tpu.sem_alloc : memref<!tpu.dma_semaphore, #tpu.memory_space<semaphore_mem>>
        %dma_start3A_149 = arith.constant 0 : i32
        %dma_start3A_150 = tpu.memref_slice %arg8[%run_scoped3A_135, %dma_start3A_149] : memref<4x64xi32, #tpu.memory_space<vmem>> -> memref<1x64xi32, #tpu.memory_space<vmem>>
        %dma_start3A_151 = tpu.memref_squeeze %dma_start3A_150 : memref<1x64xi32, #tpu.memory_space<vmem>> -> memref<64xi32, #tpu.memory_space<vmem>>
        %dma_start3A_152 = arith.constant 0 : i32
        %dma_start3A_153 = arith.constant 0 : i32
        %dma_start3A_154 = tpu.memref_slice %arg13[%dma_start3A_152, %dma_start3A_153] : memref<10112x128xf32, #tpu.memory_space<vmem_shared>> -> memref<10112x128xf32, #tpu.memory_space<vmem_shared>>
        tpu.enqueue_indirect_dma source(%arg12 : memref<64x128xf32, #tpu.memory_space<vmem>>) target(%dma_start3A_154 : memref<10112x128xf32, #tpu.memory_space<vmem_shared>>) offsets(%dma_start3A_151 : memref<64xi32, #tpu.memory_space<vmem>>) semaphore(%run_scoped3A_148 : memref<!tpu.dma_semaphore, #tpu.memory_space<semaphore_mem>>) {add = true}
        %dma_wait3A_155 = arith.constant 0 : i32
        %dma_wait3A_156 = tpu.memref_slice %arg8[%run_scoped3A_135, %dma_wait3A_155] : memref<4x64xi32, #tpu.memory_space<vmem>> -> memref<1x64xi32, #tpu.memory_space<vmem>>
        %dma_wait3A_157 = tpu.memref_squeeze %dma_wait3A_156 : memref<1x64xi32, #tpu.memory_space<vmem>> -> memref<64xi32, #tpu.memory_space<vmem>>
        %dma_wait3A_158 = arith.constant 0 : i32
        %dma_wait3A_159 = arith.constant 0 : i32
        %dma_wait3A_160 = tpu.memref_slice %arg13[%dma_wait3A_158, %dma_wait3A_159] : memref<10112x128xf32, #tpu.memory_space<vmem_shared>> -> memref<10112x128xf32, #tpu.memory_space<vmem_shared>>
        tpu.wait_indirect_dma semaphore(%run_scoped3A_148 : memref<!tpu.dma_semaphore, #tpu.memory_space<semaphore_mem>>) src(%arg12 : memref<64x128xf32, #tpu.memory_space<vmem>>) dst(%dma_wait3A_160 : memref<10112x128xf32, #tpu.memory_space<vmem_shared>>)
        tpu.yield
      }) : () -> ()
      %mul3A_136 = arith.constant 2 : i32
      %mul3A_137 = arith.muli %mul3A_136, %scan3A_67 : i32
      %add3A_138 = arith.constant 3 : i32
      %add3A_139 = arith.addi %mul3A_137, %add3A_138 : i32
      %rem3A_140 = arith.constant 80 : i32
      %rem3A_141 = arith.remsi %add3A_139, %rem3A_140 : i32
      %dma_start3A_142 = arith.constant 64 : i32
      %dma_start3A_143 = tpu.memref_slice %arg7[%rem3A_141, %dma_start3A_142] : memref<80x128xi32, #tpu.memory_space<vmem>> -> memref<1x64xi32, #tpu.memory_space<vmem>>
      %dma_start3A_144 = tpu.memref_squeeze %dma_start3A_143 : memref<1x64xi32, #tpu.memory_space<vmem>> -> memref<64xi32, #tpu.memory_space<vmem>>
      %dma_start3A_145 = arith.constant 0 : i32
      %dma_start3A_146 = arith.constant 0 : i32
      %dma_start3A_147 = tpu.memref_slice %arg2[%dma_start3A_145, %dma_start3A_146] : memref<10000x128xf32, #tpu.memory_space<hbm>> -> memref<10000x128xf32, #tpu.memory_space<hbm>>
      tpu.enqueue_indirect_dma source(%dma_start3A_147 : memref<10000x128xf32, #tpu.memory_space<hbm>>) target(%arg12 : memref<64x128xf32, #tpu.memory_space<vmem>>) offsets(%dma_start3A_144 : memref<64xi32, #tpu.memory_space<vmem>>) semaphore(%arg17 : memref<!tpu.dma_semaphore, #tpu.memory_space<semaphore_mem>>)
    }
    %scan3A_34 = arith.constant 40 : i32
    %dma_wait3A = arith.constant 0 : i32
    %dma_wait3A_35 = arith.constant 0 : i32
    %dma_wait3A_36 = tpu.memref_slice %arg7[%dma_wait3A, %dma_wait3A_35] : memref<80x128xi32, #tpu.memory_space<vmem>> -> memref<1x64xi32, #tpu.memory_space<vmem>>
    %dma_wait3A_37 = tpu.memref_squeeze %dma_wait3A_36 : memref<1x64xi32, #tpu.memory_space<vmem>> -> memref<64xi32, #tpu.memory_space<vmem>>
    %dma_wait3A_38 = arith.constant 0 : i32
    %dma_wait3A_39 = arith.constant 0 : i32
    %dma_wait3A_40 = tpu.memref_slice %arg2[%dma_wait3A_38, %dma_wait3A_39] : memref<10000x128xf32, #tpu.memory_space<hbm>> -> memref<10000x128xf32, #tpu.memory_space<hbm>>
    tpu.wait_indirect_dma semaphore(%arg14 : memref<!tpu.dma_semaphore, #tpu.memory_space<semaphore_mem>>) src(%dma_wait3A_40 : memref<10000x128xf32, #tpu.memory_space<hbm>>) dst(%arg9 : memref<64x128xf32, #tpu.memory_space<vmem>>)
    %dma_wait3A_41 = arith.constant 0 : i32
    %dma_wait3A_42 = arith.constant 0 : i32
    %dma_wait3A_43 = tpu.memref_slice %arg7[%dma_wait3A_41, %dma_wait3A_42] : memref<80x128xi32, #tpu.memory_space<vmem>> -> memref<1x64xi32, #tpu.memory_space<vmem>>
    %dma_wait3A_44 = tpu.memref_squeeze %dma_wait3A_43 : memref<1x64xi32, #tpu.memory_space<vmem>> -> memref<64xi32, #tpu.memory_space<vmem>>
    %dma_wait3A_45 = arith.constant 0 : i32
    %dma_wait3A_46 = arith.constant 0 : i32
    %dma_wait3A_47 = tpu.memref_slice %arg2[%dma_wait3A_45, %dma_wait3A_46] : memref<10000x128xf32, #tpu.memory_space<hbm>> -> memref<10000x128xf32, #tpu.memory_space<hbm>>
    tpu.wait_indirect_dma semaphore(%arg15 : memref<!tpu.dma_semaphore, #tpu.memory_space<semaphore_mem>>) src(%dma_wait3A_47 : memref<10000x128xf32, #tpu.memory_space<hbm>>) dst(%arg10 : memref<64x128xf32, #tpu.memory_space<vmem>>)
    %dma_wait3A_48 = arith.constant 0 : i32
    %dma_wait3A_49 = arith.constant 0 : i32
    %dma_wait3A_50 = tpu.memref_slice %arg7[%dma_wait3A_48, %dma_wait3A_49] : memref<80x128xi32, #tpu.memory_space<vmem>> -> memref<1x64xi32, #tpu.memory_space<vmem>>
    %dma_wait3A_51 = tpu.memref_squeeze %dma_wait3A_50 : memref<1x64xi32, #tpu.memory_space<vmem>> -> memref<64xi32, #tpu.memory_space<vmem>>
    %dma_wait3A_52 = arith.constant 0 : i32
    %dma_wait3A_53 = arith.constant 0 : i32
    %dma_wait3A_54 = tpu.memref_slice %arg2[%dma_wait3A_52, %dma_wait3A_53] : memref<10000x128xf32, #tpu.memory_space<hbm>> -> memref<10000x128xf32, #tpu.memory_space<hbm>>
    tpu.wait_indirect_dma semaphore(%arg16 : memref<!tpu.dma_semaphore, #tpu.memory_space<semaphore_mem>>) src(%dma_wait3A_54 : memref<10000x128xf32, #tpu.memory_space<hbm>>) dst(%arg11 : memref<64x128xf32, #tpu.memory_space<vmem>>)
    %dma_wait3A_55 = arith.constant 0 : i32
    %dma_wait3A_56 = arith.constant 0 : i32
    %dma_wait3A_57 = tpu.memref_slice %arg7[%dma_wait3A_55, %dma_wait3A_56] : memref<80x128xi32, #tpu.memory_space<vmem>> -> memref<1x64xi32, #tpu.memory_space<vmem>>
    %dma_wait3A_58 = tpu.memref_squeeze %dma_wait3A_57 : memref<1x64xi32, #tpu.memory_space<vmem>> -> memref<64xi32, #tpu.memory_space<vmem>>
    %dma_wait3A_59 = arith.constant 0 : i32
    %dma_wait3A_60 = arith.constant 0 : i32
    %dma_wait3A_61 = tpu.memref_slice %arg2[%dma_wait3A_59, %dma_wait3A_60] : memref<10000x128xf32, #tpu.memory_space<hbm>> -> memref<10000x128xf32, #tpu.memory_space<hbm>>
    tpu.wait_indirect_dma semaphore(%arg17 : memref<!tpu.dma_semaphore, #tpu.memory_space<semaphore_mem>>) src(%dma_wait3A_61 : memref<10000x128xf32, #tpu.memory_space<hbm>>) dst(%arg12 : memref<64x128xf32, #tpu.memory_space<vmem>>)
    %barrier3A_62 = arith.constant 0 : index
    tpu.barrier barrier_id(%barrier3A_62)
    %mul3A_63 = arith.constant 632 : i32
    %mul3A_64 = arith.muli %arg1, %mul3A_63 : i32
    %mul3A_65 = arith.constant 632 : i32
    %mul3A_66 = arith.muli %arg1, %mul3A_65 : i32
    "tpu.region"() ({
      %run_scoped3A = tpu.sem_alloc : memref<!tpu.dma_semaphore, #tpu.memory_space<semaphore_mem>>
      %dma_start3A_67 = arith.constant 0 : i32
      %dma_start3A_68 = tpu.memref_slice %arg6[%arg0, %mul3A_66, %dma_start3A_67] : memref<2x10112x128xf32, #tpu.memory_space<hbm>> -> memref<1x632x128xf32, #tpu.memory_space<hbm>>
      %dma_start3A_69 = tpu.memref_squeeze %dma_start3A_68 : memref<1x632x128xf32, #tpu.memory_space<hbm>> -> memref<632x128xf32, #tpu.memory_space<hbm>>
      %dma_start3A_70 = arith.constant 0 : i32
      %dma_start3A_71 = tpu.memref_slice %arg13[%mul3A_64, %dma_start3A_70] : memref<10112x128xf32, #tpu.memory_space<vmem_shared>> -> memref<632x128xf32, #tpu.memory_space<vmem_shared>>
      tpu.enqueue_dma source(%dma_start3A_71 : memref<632x128xf32, #tpu.memory_space<vmem_shared>>) target(%dma_start3A_69 : memref<632x128xf32, #tpu.memory_space<hbm>>) target_semaphore(%run_scoped3A : memref<!tpu.dma_semaphore, #tpu.memory_space<semaphore_mem>>)
      %dma_wait3A_72 = arith.constant 0 : i32
      %dma_wait3A_73 = tpu.memref_slice %arg6[%arg0, %mul3A_66, %dma_wait3A_72] : memref<2x10112x128xf32, #tpu.memory_space<hbm>> -> memref<1x632x128xf32, #tpu.memory_space<hbm>>
      %dma_wait3A_74 = tpu.memref_squeeze %dma_wait3A_73 : memref<1x632x128xf32, #tpu.memory_space<hbm>> -> memref<632x128xf32, #tpu.memory_space<hbm>>
      %dma_wait3A_75 = arith.constant 0 : i32
      %dma_wait3A_76 = tpu.memref_slice %arg13[%mul3A_64, %dma_wait3A_75] : memref<10112x128xf32, #tpu.memory_space<vmem_shared>> -> memref<632x128xf32, #tpu.memory_space<vmem_shared>>
      tpu.wait_dma2 semaphore(%run_scoped3A : memref<!tpu.dma_semaphore, #tpu.memory_space<semaphore_mem>>) src(%dma_wait3A_76 : memref<632x128xf32, #tpu.memory_space<vmem_shared>>) dst(%dma_wait3A_74 : memref<632x128xf32, #tpu.memory_space<hbm>>)
      tpu.yield
    }) : () -> ()
    return
  }
}

module attributes {stable_mosaic.version = 14 : i64} {
  func.func @body(%arg0: memref<10000x128xf32, #tpu.memory_space<vmem>>, %arg1: memref<128x128xf32, #tpu.memory_space<vmem>>, %arg2: memref<32x10112xf32, #tpu.memory_space<vmem>>, %arg3: memref<10000x128xf32, #tpu.memory_space<vmem>>, %arg4: memref<10000x1xf32, #tpu.memory_space<vmem>>) attributes {dimension_semantics = [], scalar_prefetch = 0 : i64, scratch_operands = 0 : i64, tpu.core_type = #tpu.core_type<tc>} {
    %broadcast_in_dim3A = arith.constant 1.000000e+00 : f32
    %broadcast_in_dim3A_0 = vector.broadcast %broadcast_in_dim3A : f32 to vector<32x1xf32>
    %get3A = arith.constant 0 : index
    %get3A_1 = arith.constant 0 : index
    %get3A_2 = vector.load %arg2[%get3A, %get3A_1] : memref<32x10112xf32, #tpu.memory_space<vmem>>, vector<32x10112xf32>
    %dot_general3A = arith.constant dense<0.000000e+00> : vector<10112x1xf32>
    %dot_general3A_3 = tpu.matmul %get3A_2, %broadcast_in_dim3A_0, %dot_general3A {dimension_numbers = #tpu.dot_dimension_numbers<[0], [0], [1], [1], [0, 1, 1, 1], [], []>, transpose_lhs_hint = false} : vector<32x10112xf32>, vector<32x1xf32>, vector<10112x1xf32> -> vector<10112x1xf32>
    %slice3A = vector.extract_strided_slice %dot_general3A_3 {offsets = [0, 0], sizes = [10000, 1], strides = [1, 1]} : vector<10112x1xf32> to vector<10000x1xf32>
    %add3A = arith.constant 1.000000e+00 : f32
    %add3A_4 = vector.broadcast %add3A : f32 to vector<10000x1xf32>
    %add3A_5 = arith.addf %add3A_4, %slice3A : vector<10000x1xf32>
    %rsqrt3A = math.rsqrt %add3A_5 : vector<10000x1xf32>
    %swap3A = arith.constant 0 : index
    %swap3A_6 = arith.constant 0 : index
    %swap3A_7 = vector.load %arg4[%swap3A, %swap3A_6] : memref<10000x1xf32, #tpu.memory_space<vmem>>, vector<10000x1xf32>
    tpu.vector_store %arg4[%swap3A, %swap3A_6], %rsqrt3A {strides = array<i32>} : memref<10000x1xf32, #tpu.memory_space<vmem>>, vector<10000x1xf32>,
    %get3A_8 = arith.constant 0 : index
    %get3A_9 = arith.constant 0 : index
    %get3A_10 = vector.load %arg0[%get3A_8, %get3A_9] : memref<10000x128xf32, #tpu.memory_space<vmem>>, vector<10000x128xf32>
    %get3A_11 = arith.constant 0 : index
    %get3A_12 = arith.constant 0 : index
    %get3A_13 = vector.load %arg1[%get3A_11, %get3A_12] : memref<128x128xf32, #tpu.memory_space<vmem>>, vector<128x128xf32>
    %dot_general3A_14 = arith.constant dense<0.000000e+00> : vector<10000x128xf32>
    %dot_general3A_15 = tpu.matmul %get3A_10, %get3A_13, %dot_general3A_14 {dimension_numbers = #tpu.dot_dimension_numbers<[1], [0], [0], [1], [0, 0, 1, 1], [], []>, transpose_lhs_hint = false} : vector<10000x128xf32>, vector<128x128xf32>, vector<10000x128xf32> -> vector<10000x128xf32>
    %mul3A = vector.broadcast %rsqrt3A : vector<10000x1xf32> to vector<10000x128xf32>
    %mul3A_16 = arith.mulf %dot_general3A_15, %mul3A : vector<10000x128xf32>
    %swap3A_17 = arith.constant 0 : index
    %swap3A_18 = arith.constant 0 : index
    %swap3A_19 = vector.load %arg3[%swap3A_17, %swap3A_18] : memref<10000x128xf32, #tpu.memory_space<vmem>>, vector<10000x128xf32>
    tpu.vector_store %arg3[%swap3A_17, %swap3A_18], %mul3A_16 {strides = array<i32>} : memref<10000x128xf32, #tpu.memory_space<vmem>>, vector<10000x128xf32>,
    return
  }
}

module attributes {stable_mosaic.version = 14 : i64} {
  func.func @body(%arg0: memref<2x10112x128xf32, #tpu.memory_space<vmem>>, %arg1: memref<10000x128xf32, #tpu.memory_space<vmem>>, %arg2: memref<10000x1xf32, #tpu.memory_space<vmem>>, %arg3: memref<128x128xf32, #tpu.memory_space<vmem>>, %arg4: memref<1x128xf32, #tpu.memory_space<vmem>>, %arg5: memref<10000x128xf32, #tpu.memory_space<vmem>>) attributes {dimension_semantics = [], scalar_prefetch = 0 : i64, scratch_operands = 0 : i64, tpu.core_type = #tpu.core_type<tc>} {
    %get3A = arith.constant 0 : index
    %get3A_0 = arith.constant 0 : index
    %get3A_1 = vector.load %arg2[%get3A, %get3A_0] : memref<10000x1xf32, #tpu.memory_space<vmem>>, vector<10000x1xf32>
    %get3A_2 = arith.constant 0 : index
    %get3A_3 = arith.constant 0 : index
    %get3A_4 = arith.constant 0 : index
    %get3A_5 = vector.load %arg0[%get3A_2, %get3A_3, %get3A_4] : memref<2x10112x128xf32, #tpu.memory_space<vmem>>, vector<1x10000x128xf32>
    %get3A_6 = vector.shape_cast %get3A_5 : vector<1x10000x128xf32> to vector<10000x128xf32>
    %get3A_7 = arith.constant 1 : index
    %get3A_8 = arith.constant 0 : index
    %get3A_9 = arith.constant 0 : index
    %get3A_10 = vector.load %arg0[%get3A_7, %get3A_8, %get3A_9] : memref<2x10112x128xf32, #tpu.memory_space<vmem>>, vector<1x10000x128xf32>
    %get3A_11 = vector.shape_cast %get3A_10 : vector<1x10000x128xf32> to vector<10000x128xf32>
    %add3A = arith.addf %get3A_6, %get3A_11 : vector<10000x128xf32>
    %get3A_12 = arith.constant 0 : index
    %get3A_13 = arith.constant 0 : index
    %get3A_14 = vector.load %arg1[%get3A_12, %get3A_13] : memref<10000x128xf32, #tpu.memory_space<vmem>>, vector<10000x128xf32>
    %add3A_15 = arith.addf %add3A, %get3A_14 : vector<10000x128xf32>
    %mul3A = vector.broadcast %get3A_1 : vector<10000x1xf32> to vector<10000x128xf32>
    %mul3A_16 = arith.mulf %add3A_15, %mul3A : vector<10000x128xf32>
    %get3A_17 = arith.constant 0 : index
    %get3A_18 = arith.constant 0 : index
    %get3A_19 = vector.load %arg4[%get3A_17, %get3A_18] : memref<1x128xf32, #tpu.memory_space<vmem>>, vector<1x128xf32>
    %add3A_20 = vector.broadcast %get3A_19 : vector<1x128xf32> to vector<10000x128xf32>
    %add3A_21 = arith.addf %mul3A_16, %add3A_20 : vector<10000x128xf32>
    %max3A = arith.constant 0.000000e+00 : f32
    %max3A_22 = vector.broadcast %max3A : f32 to vector<10000x128xf32>
    %max3A_23 = arith.maximumf %add3A_21, %max3A_22 : vector<10000x128xf32>
    %get3A_24 = arith.constant 0 : index
    %get3A_25 = arith.constant 0 : index
    %get3A_26 = vector.load %arg3[%get3A_24, %get3A_25] : memref<128x128xf32, #tpu.memory_space<vmem>>, vector<128x128xf32>
    %dot_general3A = arith.constant dense<0.000000e+00> : vector<10000x128xf32>
    %dot_general3A_27 = tpu.matmul %max3A_23, %get3A_26, %dot_general3A {dimension_numbers = #tpu.dot_dimension_numbers<[1], [0], [0], [1], [0, 0, 1, 1], [], []>, transpose_lhs_hint = false} : vector<10000x128xf32>, vector<128x128xf32>, vector<10000x128xf32> -> vector<10000x128xf32>
    %mul3A_28 = vector.broadcast %get3A_1 : vector<10000x1xf32> to vector<10000x128xf32>
    %mul3A_29 = arith.mulf %dot_general3A_27, %mul3A_28 : vector<10000x128xf32>
    %swap3A = arith.constant 0 : index
    %swap3A_30 = arith.constant 0 : index
    %swap3A_31 = vector.load %arg5[%swap3A, %swap3A_30] : memref<10000x128xf32, #tpu.memory_space<vmem>>, vector<10000x128xf32>
    tpu.vector_store %arg5[%swap3A, %swap3A_30], %mul3A_29 {strides = array<i32>} : memref<10000x128xf32, #tpu.memory_space<vmem>>, vector<10000x128xf32>,
    return
  }
}

module attributes {stable_mosaic.version = 14 : i64} {
  func.func @body(%arg0: memref<2x10112x128xf32, #tpu.memory_space<vmem>>, %arg1: memref<10000x128xf32, #tpu.memory_space<vmem>>, %arg2: memref<10000x1xf32, #tpu.memory_space<vmem>>, %arg3: memref<1x128xf32, #tpu.memory_space<vmem>>, %arg4: memref<10000x128xf32, #tpu.memory_space<vmem>>) attributes {dimension_semantics = [], scalar_prefetch = 0 : i64, scratch_operands = 0 : i64, tpu.core_type = #tpu.core_type<tc>} {
    %get3A = arith.constant 0 : index
    %get3A_0 = arith.constant 0 : index
    %get3A_1 = arith.constant 0 : index
    %get3A_2 = vector.load %arg0[%get3A, %get3A_0, %get3A_1] : memref<2x10112x128xf32, #tpu.memory_space<vmem>>, vector<1x10000x128xf32>
    %get3A_3 = vector.shape_cast %get3A_2 : vector<1x10000x128xf32> to vector<10000x128xf32>
    %get3A_4 = arith.constant 1 : index
    %get3A_5 = arith.constant 0 : index
    %get3A_6 = arith.constant 0 : index
    %get3A_7 = vector.load %arg0[%get3A_4, %get3A_5, %get3A_6] : memref<2x10112x128xf32, #tpu.memory_space<vmem>>, vector<1x10000x128xf32>
    %get3A_8 = vector.shape_cast %get3A_7 : vector<1x10000x128xf32> to vector<10000x128xf32>
    %add3A = arith.addf %get3A_3, %get3A_8 : vector<10000x128xf32>
    %get3A_9 = arith.constant 0 : index
    %get3A_10 = arith.constant 0 : index
    %get3A_11 = vector.load %arg1[%get3A_9, %get3A_10] : memref<10000x128xf32, #tpu.memory_space<vmem>>, vector<10000x128xf32>
    %add3A_12 = arith.addf %add3A, %get3A_11 : vector<10000x128xf32>
    %get3A_13 = arith.constant 0 : index
    %get3A_14 = arith.constant 0 : index
    %get3A_15 = vector.load %arg2[%get3A_13, %get3A_14] : memref<10000x1xf32, #tpu.memory_space<vmem>>, vector<10000x1xf32>
    %mul3A = vector.broadcast %get3A_15 : vector<10000x1xf32> to vector<10000x128xf32>
    %mul3A_16 = arith.mulf %add3A_12, %mul3A : vector<10000x128xf32>
    %get3A_17 = arith.constant 0 : index
    %get3A_18 = arith.constant 0 : index
    %get3A_19 = vector.load %arg3[%get3A_17, %get3A_18] : memref<1x128xf32, #tpu.memory_space<vmem>>, vector<1x128xf32>
    %add3A_20 = vector.broadcast %get3A_19 : vector<1x128xf32> to vector<10000x128xf32>
    %add3A_21 = arith.addf %mul3A_16, %add3A_20 : vector<10000x128xf32>
    %swap3A = arith.constant 0 : index
    %swap3A_22 = arith.constant 0 : index
    %swap3A_23 = vector.load %arg4[%swap3A, %swap3A_22] : memref<10000x128xf32, #tpu.memory_space<vmem>>, vector<10000x128xf32>
    tpu.vector_store %arg4[%swap3A, %swap3A_22], %add3A_21 {strides = array<i32>} : memref<10000x128xf32, #tpu.memory_space<vmem>>, vector<10000x128xf32>,
    return
  }
}

</mosaic_0001>

<sc_bundles>
// kernel: kernel.11.cloned.1.call-start
scs
__scs_entry_jumppad:
0x0: {  	(pc) =	sbr.rel $0x88, $3  }
0x1: {  	(tag) =	ssettag $0x0;
	lr =	simm.s32 $0x1  }
0x2: {  	[smem:$0x3F9B] =	sst lr;
	_ =	strace $0xD0000000  }
0x3: {  	_ = 	snop  }
0x4: {  	_ = 	snop  }
0x5: {  	_ = 	snop  }
0x6: {  	_ = 	snop  }
0x7: {  	_ = 	snop  }
__scs_overlays_trampoline_lowered:
0x8: {  	[smem:$0x3FAA] =	sst s0  }
0x9: {  	[smem:$0x3FAB] =	sst s1  }
0xa: {  	[smem:$0x3FAC] =	sst s2  }
0xb: {  	[smem:$0x3FAD] =	sst s3  }
0xc: {  	[smem:$0x3FAE] =	sst s4  }
0xd: {  	[smem:$0x3FAF] =	sst s5  }
0xe: {  	[smem:$0x3FB0] =	sst s6  }
0xf: {  	[smem:$0x3FB1] =	sst s7  }
0x10: {  	[smem:$0x3FB2] =	sst s8  }
0x11: {  	[smem:$0x3FB3] =	sst s9;
	s0 =	simm.s32 @!p0 $0x0  }
0x12: {  	s1 =	sld [smem:$0x3F99];
	s0 =	simm.s32 @p0 $0x1  }
0x13: {  	[smem:$0x3FB4] =	sst s0;
	s0 =	simm.s32 @!p1 $0x0  }
0x14: {  	s2 =	sld [smem:$0x3F98];
	s0 =	simm.s32 @p1 $0x1  }
0x15: {  	[smem:$0x3FB5] =	sst s0;
	s0 =	simm.s32 @!p2 $0x0  }
0x16: {  	s3 =	sld [smem:$0x3FDB];
	s0 =	simm.s32 @p2 $0x1  }
0x17: {  	s4 =	simm.s32 $0x1BF5;
	[smem:$0x3FB7] =	sst s0  }
0x18: {  	s0 =	sld [smem:$0x3F9A];
	_ =	swait.ge [sflag:s4], $0x0  }
0x19: {  	s7 =	sld [smem:$0x3F9B]  }
0x1a: {  	s8 =	sadd.s32 $0xFFFFE003, lr  }
0x1b: {  	s9 =	sadd.s32 $0xFFFFFEF7, lr;
	s5 =	simm.s32 $0xFFFFFFFF;
	p2 =	slt.u32 s8, $0xFFFFF086  }
0x1c: {  	p1 =	slt.u32 s9, $0xF7A;
	s5 =	simm.s32 @!p2 $0x0  }
0x1d: {  	s5 =	simm.s32 @p1 $0x1;
	p0 =	seq.s32 s7, s2  }
0x1e: {  	s7 =	smul.u32 @!p0 $0xF7A, s2;
	p2 =	seq.s32 @!p0 s5, $0x0  }
0x1f: {  	s9 =	smul.u32 $0xF7A, s1;
	s8 =	simm.s32 @!p0 $0x1BF5;
	p2 =	por !p2, p0  }
0x20: {  	[sflag:s8] =	ssyncset.s32 @!p0 $0xFFFFF086;
	s6 =	sadd.s32 @!p0 s3, s7;
	s7 =	simm.s32 @!p0 $0x108  }
0x21: {  	s3 =	sadd.s32 s3, s9;
	s6 =	sadd.s32 @!p0 $0x88, s6;
	s7 =	simm.s32 @p2 $0x1082  }
0x22: {  	[simem:s7], [sflag:s8] =	dma.local @!p0 [hbm:s6], $0xF7A  }
0x23: {  	s9 =	sor.u32 $0xD0000000, s2;
	s6 =	simm.s32 $0x108;
	_ =	swait.ge @!p0 [sflag:s8], $0x0  }
0x24: {  	s3 =	sadd.s32 $0x88, s3;
	s6 =	simm.s32 @!p1 $0x1082;
	[sflag:s4] =	ssyncset.s32 $0xFFFFF086  }
0x25: {  	[simem:s6], [sflag:s4] =	dma.local [hbm:s3], $0xF7A  }
0x26: {  	[smem:$0x3F9B] =	sst s1;
	(tag) =	ssettag s2;
	_ =	strace s9  }
0x27: {  	s1 =	sld [smem:$0x3FAB]  }
0x28: {  	s2 =	sld [smem:$0x3FAC]  }
0x29: {  	s4 =	sld [smem:$0x3FAE]  }
0x2a: {  	p0 =	seq.s32 s5, $0x0;
	s5 =	sld [smem:$0x3FAF]  }
0x2b: {  	s6 =	sld [smem:$0x3FB0]  }
0x2c: {  	s7 =	sld [smem:$0x3FB1]  }
0x2d: {  	s3 =	simm.s32 $0x108;
	s8 =	sld [smem:$0x3FB2]  }
0x2e: {  	s3 =	simm.s32 @!p0 $0x1082;
	s9 =	sld [smem:$0x3FB3]  }
0x2f: {  	lr =	sadd.s32 s0, s3;
	s0 =	sld [smem:$0x3FAA]  }
0x30: {  	s3 =	sld [smem:$0x3FAD]  }
0x31: {  	[smem:$0x3FB6] =	sst s10  }
0x32: {  	s10 =	sld [smem:$0x3FB4];
	_ =	sdelay $0x3  }
0x33: {  	p0 =	seq.s32 s10, $0x1;
	s10 =	sld [smem:$0x3FB6];
	_ =	sdelay $0x3  }
0x34: {  	[smem:$0x3FB6] =	sst s10  }
0x35: {  	s10 =	sld [smem:$0x3FB5];
	_ =	sdelay $0x3  }
0x36: {  	p1 =	seq.s32 s10, $0x1;
	s10 =	sld [smem:$0x3FB6];
	_ =	sdelay $0x3  }
0x37: {  	[smem:$0x3FB6] =	sst s10  }
0x38: {  	s10 =	sld [smem:$0x3FB7]  }
0x39: {  	_ = 	snop;
	(pc) =	sbr.ind lr, $3  }
0x3a: {  	_ = 	snop  }
0x3b: {  	_ = 	snop  }
0x3c: {  	p2 =	seq.s32 s10, $0x1;
	s10 =	sld [smem:$0x3FB6]  }
0x3d: {  	_ =	shalt  }
0x3e: {  	_ =	shalt  }
0x3f: {  	_ =	shalt  }
0x40: {  	_ =	shalt  }
0x41: {  	_ =	shalt  }
0x42: {  	_ =	shalt  }
0x43: {  	_ =	shalt  }
0x44: {  	_ =	shalt  }
0x45: {  	_ =	shalt  }
0x46: {  	_ =	shalt  }
0x47: {  	_ =	shalt  }
0x48: {  	_ =	shalt  }
0x49: {  	_ =	shalt  }
0x4a: {  	_ =	shalt  }
0x4b: {  	_ =	shalt  }
0x4c: {  	_ =	shalt  }
0x4d: {  	_ =	shalt  }
0x4e: {  	_ =	shalt  }
0x4f: {  	_ =	shalt  }
0x50: {  	_ =	shalt  }
0x51: {  	_ =	shalt  }
0x52: {  	_ =	shalt  }
0x53: {  	_ =	shalt  }
0x54: {  	_ =	shalt  }
0x55: {  	_ =	shalt  }
0x56: {  	_ =	shalt  }
0x57: {  	_ =	shalt  }
0x58: {  	_ =	shalt  }
0x59: {  	_ =	shalt  }
0x5a: {  	_ =	shalt  }
0x5b: {  	_ =	shalt  }
0x5c: {  	_ =	shalt  }
0x5d: {  	_ =	shalt  }
0x5e: {  	_ =	shalt  }
0x5f: {  	_ =	shalt  }
0x60: {  	_ =	shalt  }
0x61: {  	_ =	shalt  }
0x62: {  	_ =	shalt  }
0x63: {  	_ =	shalt  }
0x64: {  	_ =	shalt  }
0x65: {  	_ =	shalt  }
0x66: {  	_ =	shalt  }
0x67: {  	_ =	shalt  }
0x68: {  	_ =	shalt  }
0x69: {  	_ =	shalt  }
0x6a: {  	_ =	shalt  }
0x6b: {  	_ =	shalt  }
0x6c: {  	_ =	shalt  }
0x6d: {  	_ =	shalt  }
0x6e: {  	_ =	shalt  }
0x6f: {  	_ =	shalt  }
0x70: {  	_ =	shalt  }
0x71: {  	_ =	shalt  }
0x72: {  	_ =	shalt  }
0x73: {  	_ =	shalt  }
0x74: {  	_ =	shalt  }
0x75: {  	_ =	shalt  }
0x76: {  	_ =	shalt  }
0x77: {  	_ =	shalt  }
0x78: {  	_ =	shalt  }
0x79: {  	_ =	shalt  }
0x7a: {  	_ =	shalt  }
0x7b: {  	_ =	shalt  }
0x7c: {  	_ =	shalt  }
0x7d: {  	_ =	shalt  }
0x7e: {  	_ =	shalt  }
0x7f: {  	_ =	shalt  }
0x80: {  	_ =	shalt  }
0x81: {  	_ =	shalt  }
0x82: {  	_ =	shalt  }
0x83: {  	_ =	shalt  }
0x84: {  	_ =	shalt  }
0x85: {  	_ =	shalt  }
0x86: {  	_ =	shalt  }
0x87: {  	_ =	shalt  }
.Lfunc_end0:
.L_simem_size_0:
called_computation.1_lowered:
.L_overlay_start_0:
0x88: {  	s2 =	sld [smem:$0x3FD9]  }
0x89: {  	s3 =	sld [smem:$0x3FFE];
	_ =	sdelay $0x1  }
0x8a: {  	s1 =	srdreg.scid  }
0x8b: {  	s0 =	sand.u32 $0x1, s1  }
0x8c: {  	s17 =	sshll.u32 s0, $0xA;
	s2 =	sadd.s32 s3, s2  }
0x8d: {  	s2 =	sadd.s32 s2, s17  }
0x8e: {  	[smem:$0x3FC2] =	sst s2  }
0x8f: {  	_ = 	snop  }
0x90: {  	s2 =	sld [smem:$0x3FD0];
	(tm) =	ssettm $0x1  }
0x91: {  	s18 =	sld [smem:$0x3FFB];
	_ =	sdelay $0x3  }
0x92: {  	_ =	strace s18  }
0x93: {  	s3 =	sld [smem:$0x3FFC];
	_ =	sdelay $0x3  }
0x94: {  	_ =	strace s3  }
0x95: {  	s3 =	sld [smem:$0x3FFD];
	_ =	sdelay $0x3  }
0x96: {  	_ =	strace s3  }
0x97: {  	_ =	strace $0x8FFFFFFF  }
0x98: {  	s19 =	sld [smem:$0x3FDB];
	_ =	sdelay $0x1  }
0x99: {  	s4 =	simm.s32 $_scs_section_size  }
0x9a: {  	s5 =	simm.s32 $_size__tile_overlayer_lowered;
	s6 =	simm.s32 $_tile_overlayer_lowered  }
0x9b: {  	s22 =	simm.s32 $0x1BFF;
	s21 =	sshll.u32 s6, $0x1;
	s3 =	sadd.s32 s4, s19  }
0x9c: {  	s7 =	simm.s32 $0x0;
	s20 =	sshll.u32 s5, $0x1;
	s5 =	sadd.s32 s21, s3  }
0x9d: {  	[timem:s7], [sflag:s22] =	dma.local [hbm:s5], s20  }
0x9e: {  	_ =	swait.ge [sflag:s22], s20  }
0x9f: {  	s4 =	ssub.s32 $0x0, s20;
	[sflag:s22] =	ssyncset.done $0x0  }
0xa0: {  	[sflag:s22] =	ssyncadd.s32 s4;
	_ =	sdelay $0x1  }
0xa1: {  	s23 =	simm.s32 $0x1B8B  }
0xa2: {  	_ =	swait.ge [sflag:s23], $0x1  }
0xa3: {  	[sflag:s23] =	ssyncset.done $0x0  }
0xa4: {  	s25 =	simm.s32 $0x1B8E;
	s24 =	sld [smem:$0x3FFE];
	[sflag:s23] =	ssyncadd.s32 $0xFFFFFFFF  }
0xa5: {  	s26 =	simm.s32 $execute0_lowered;
	[smem:$0x3FD2] =	sst s25  }
0xa6: {  	s5 =	sshll.u32 s26, $0x1;
	_ =	strace $0x80000049;
	[dreg:$0x1] =	wrdreg $0xFFFFFFFF  }
0xa7: {  	s28 =	simm.s32 $_size_execute0_lowered;
	s3 =	sadd.s32 s3, s5;
	[dreg:$0x0] =	wrdreg $0x0  }
0xa8: {  	s5 =	sshll.u32 s28, $0x1;
	[dreg:$0x2] =	wrdreg s3  }
0xa9: {  	[dreg:$0x3] =	wrdreg s5  }
0xaa: {  	[dreg:$0x4] =	wrdreg $0xC0  }
0xab: {  	_ =	task [dreg:s7], $0x5FFFF  }
0xac: {  	[dreg:$0x1] =	wrdreg $0xFFFFFFFF  }
0xad: {  	[dreg:$0x0] =	wrdreg $0x60  }
0xae: {  	[dreg:$0x2] =	wrdreg s2  }
0xaf: {  	[dreg:$0x3] =	wrdreg s24  }
0xb0: {  	[dreg:$0x4] =	wrdreg $0xAA000  }
0xb1: {  	[dreg:$0x5] =	wrdreg $0x9  }
0xb2: {  	_ =	task.clear_ibuf [dreg:s7], $0x6FFFF;
	_ =	strace $0x90000049  }
0xb3: {  	s29 =	simm.s32 $0x9;
	_ =	strace $0x8000004B  }
0xb4: {  	_ =	swait.ge [sflag:s29], $0x1  }
0xb5: {  	[sflag:s29] =	ssyncadd.s32 $0xFFFFFFFF  }
0xb6: {  	_ =	strace $0x9000004B  }
0xb7: {  	_ =	sfence  }
0xb8: {  	s30 =	sld [smem:$0x0];
	_ =	sdelay $0x2  }
0xb9: {  	s31 =	sshll.u32 s1, $0xD;
	s1 =	sshrl.u32 s1, $0x2  }
0xba: {  	s3 =	sand.u32 $0x4000, s31;
	s1 =	sadd.s32 s1, s30  }
0xbb: {  	s0 =	sor.u32 s3, s0;
	s1 =	sshll.u32 s1, $0x11  }
0xbc: {  	s0 =	sor.u32 s1, s0  }
0xbd: {  	s0 =	sadd.s32 $0x8F2B, s0  }
0xbe: {  	[sflag:s0] =	ssyncadd.remote.s32 $0x1  }
0xbf: {  	_ =	sfence.sel $0xFFFF  }
0xc0: {  	[dreg:$0x0] =	wrdreg $0xFFFFFFFF;
	(pc) =	sbr.abs _section_cstart, $3  }
0xc1: {  	[dreg:$0x1] =	wrdreg $0xFFFFFFFF  }
0xc2: {  	_ =	task.clear_ibuf [dreg:s7], $0x2FFFF;
	_ =	strace $0x9FFFFFFF  }
0xc3: {  	(tm) =	ssettm $0x7FFFFFFF  }
tec
execute0_lowered:
.L_overlay_start_1:
0x0: {  	(tag) =	ssettag $0x1  }
0x1: {  	s1 =	rddreg [dreg:$0x0];
	s0 =	srdreg.scid  }
0x2: {  	s13 =	stileid.u32;
	s2 =	rddreg [dreg:$0x1]  }
0x3: {  	s3 =	rddreg [dreg:$0x2];
	s12 =	simm.s32 $0x5;
	s15 =	simm.s32 $0x40  }
0x4: {  	s16 =	simm.s32 $0x2A00;
	s17 =	simm.s32 $0x4A00;
	s18 =	simm.s32 $0x80  }
0x5: {  	s19 =	simm.s32 $0x6A00;
	s28 =	simm.s32 $0x2900;
	s29 =	simm.s32 $0x4  }
0x6: {  	s30 =	simm.s32 $0x2980;
	s31 =	simm.s32 $0x0;
	s0 =	sand.u32 $0x1, s0  }
0x7: {  	s4 =	sshll.u32 s13, $0x1;
	s8 =	smul.u32 $0x13C00, s13;
	s10 =	sadd.s32 $0xCA00, s2  }
0x8: {  	s20 =	smul.u32 $0x4F000, s13;
	s26 =	sshll.u32 s13, $0x6;
	s6 =	sor.u32 s0, s4  }
0x9: {  	s4 =	simm.s32 $0x0;
	s7 =	smul.u32 $0x13C000, s0;
	s0 =	ssub.s32 $0x2, s0  }
0xa: {  	s13 =	sor.u32 $0x1C05, s26;
	s26 =	simm.s32 $0x3;
	s5 =	smul.u32 $0x500, s6  }
0xb: {  	[smem:$0x7FF] =	sst s4;
	s11 =	sshrl.u32 s0, $0x1;
	s22 =	sshrl.u32 s20, $0x2  }
0xc: {  	s20 =	simm.s32 $0xC0;
	_ =	strace $0x8000004A;
	[dreg:$0x4] =	wrdreg s10  }
0xd: {  	s7 =	sadd.s32 s8, s7;
	s0 =	ssub.s32 s0, s11;
	s9 =	sadd.s32 s5, s2  }
0xe: {  	s5 =	sadd.s32 $0x16E00, s2;
	s21 =	sshrl.u32 s7, $0x3;
	s7 =	smul.u32 $0x5000, s6  }
0xf: {  	s6 =	sadd.s32 s22, s3;
	s0 =	smax.u32 s0, $0x1;
	s22 =	simm.s32 $0x2800  }
0x10: {  	s2 =	sadd.s32 s21, s2;
	s23 =	sadd.s32 $0x2A00, s9;
	[dreg:$0x7] =	wrdreg s0  }
0x11: {  	s14 =	sshrl.u32 s6, $0x3;
	s21 =	simm.s32 $0x8A00;
	s24 =	sshrl.u32 s7, $0x3  }
0x12: {  	[dreg:$0x5] =	wrdreg s23;
	s2 =	sadd.s32 $0x2AE00, s2;
	s25 =	sadd.s32 s5, s24  }
0x13: {  	s23 =	simm.s32 $0x1;
	[dreg:$0x6] =	wrdreg s2;
	s0 =	sadd.s32 $0x9C0, s25  }
0x14: {  	s24 =	simm.s32 $0x2;
	s25 =	simm.s32 $0x2880;
	[dreg:$0x8] =	wrdreg s0  }
.LBB2_1:
0x15: {  	s0 =	rddreg [dreg:$0x5]  }
0x16: {  	[tilespmem:s4], [sflag:$0x5] =	stream.linear.gather [hbm4b:s0+s4], $0x2800, $0x38;
	[tilespmem:$0x1E600] =	vst v63  }
0x17: {  	_ =	swait.ge [sflag:s12], $0x2800  }
0x18: {  	[sflag:s12] =	ssyncset.done $0x0  }
0x19: {  	s6 =	rddreg [dreg:$0x4];
	[sflag:s12] =	ssyncadd.s32 $0xFFFFD800  }
0x1a: {  	[spmem:s14], [sflag:s13] =	dma.local [hbm:s6], $0x2780  }
0x1b: {  	_ =	swait.ge [sflag:s12], $0x2780  }
0x1c: {  	[sflag:s12] =	ssyncset.done $0x0  }
0x1d: {  	[sflag:s12] =	ssyncadd.s32 $0xFFFFD880  }
0x1e: {  	s8 =	sand.u32 $0x7C00, s4;
	[bflag:$0x0] =	sbarrier.arrive $0xFFFF  }
0x1f: {  	[tilespmem:s16], [sflag:$0x1] =	stream.indirect.gather [hbm4b:s1+s15], $0x80, s4, s15, $0xb8;
	[tilespmem:$0x1E600] =	vst v63  }
0x20: {  	s2 =	sand.u32 $0x200, s4;
	s0 =	sadd.s32 s7, s8  }
0x21: {  	[tilespmem:s17], [sflag:$0x2] =	stream.indirect.gather [hbm4b:s1+s15], $0x80, s15, s15, $0xb8;
	[tilespmem:$0x1E600] =	vst v63  }
0x22: {  	s0 =	sor.u32 s2, s0  }
0x23: {  	[tilespmem:s19], [sflag:$0x3] =	stream.indirect.gather [hbm4b:s1+s15], $0x80, s18, s15, $0xb8;
	[tilespmem:$0x1E600] =	vst v63  }
0x24: {  	s0 =	sshrl.u32 s0, $0x3  }
0x25: {  	[tilespmem:s21], [sflag:$0x4] =	stream.indirect.gather [hbm4b:s1+s15], $0x80, s20, s15, $0xb8;
	[tilespmem:$0x1E600] =	vst v63  }
0x26: {  	s0 =	sadd.s32 s5, s0  }
0x27: {  	[tilespmem:s22], [sflag:$0x5] =	stream.linear.gather [hbm4b:s0+s4], $0x200, $0x38;
	[tilespmem:$0x1E600] =	vst v63  }
0x28: {  	_ =	swait.ge [sflag:s12], $0x200  }
0x29: {  	[sflag:s12] =	ssyncset.done $0x0  }
0x2a: {  	[sflag:s12] =	ssyncadd.s32 $0xFFFFFE00  }
0x2b: {  	_ =	swait.ge [sflag:s23], $0x2000  }
0x2c: {  	[sflag:s23] =	ssyncset.done $0x0  }
0x2d: {  	[sflag:s23] =	ssyncadd.s32 $0xFFFFE000  }
0x2e: {  	[spmem:s3] =	stream.indirect.scatter.add.f32 [tilespmem:s16], [sflag:$0x5], $0x80, s22, s15, $0xb8;
	[tilespmem:$0x1E600] =	vst v63  }
0x2f: {  	_ =	swait.ge [sflag:s12], $0x2000  }
0x30: {  	[sflag:s12] =	ssyncset.done $0x0  }
0x31: {  	s9 =	simm.s32 $0x100;
	[sflag:s12] =	ssyncadd.s32 $0xFFFFE000  }
0x32: {  	[tilespmem:s16], [sflag:$0x1] =	stream.indirect.gather [hbm4b:s1+s15], $0x80, s9, s15, $0xb8;
	[tilespmem:$0x1E600] =	vst v63  }
0x33: {  	_ =	swait.ge [sflag:s24], $0x2000  }
0x34: {  	[sflag:s24] =	ssyncset.done $0x0  }
0x35: {  	[sflag:s24] =	ssyncadd.s32 $0xFFFFE000  }
0x36: {  	[spmem:s3] =	stream.indirect.scatter.add.f32 [tilespmem:s17], [sflag:$0x5], $0x80, s25, s15, $0xb8;
	[tilespmem:$0x1E600] =	vst v63  }
0x37: {  	_ =	swait.ge [sflag:s12], $0x2000  }
0x38: {  	[sflag:s12] =	ssyncset.done $0x0  }
0x39: {  	s10 =	simm.s32 $0x140;
	[sflag:s12] =	ssyncadd.s32 $0xFFFFE000  }
0x3a: {  	[tilespmem:s17], [sflag:$0x2] =	stream.indirect.gather [hbm4b:s1+s15], $0x80, s10, s15, $0xb8;
	[tilespmem:$0x1E600] =	vst v63  }
0x3b: {  	_ =	swait.ge [sflag:s26], $0x2000  }
0x3c: {  	[sflag:s26] =	ssyncset.done $0x0  }
0x3d: {  	[sflag:s26] =	ssyncadd.s32 $0xFFFFE000  }
0x3e: {  	[spmem:s3] =	stream.indirect.scatter.add.f32 [tilespmem:s19], [sflag:$0x5], $0x80, s28, s15, $0xb8;
	[tilespmem:$0x1E600] =	vst v63  }
0x3f: {  	_ =	swait.ge [sflag:s12], $0x2000  }
0x40: {  	[sflag:s12] =	ssyncset.done $0x0  }
0x41: {  	s11 =	simm.s32 $0x180;
	[sflag:s12] =	ssyncadd.s32 $0xFFFFE000  }
0x42: {  	[tilespmem:s19], [sflag:$0x3] =	stream.indirect.gather [hbm4b:s1+s15], $0x80, s11, s15, $0xb8;
	[tilespmem:$0x1E600] =	vst v63  }
0x43: {  	s6 =	simm.s32 $0x200;
	_ =	swait.ge [sflag:s29], $0x2000  }
0x44: {  	s8 =	sand.u32 $0x7C00, s6;
	[sflag:s29] =	ssyncset.done $0x0  }
0x45: {  	s6 =	sand.u32 $0x200, s6;
	s8 =	sadd.s32 s7, s8;
	[sflag:s29] =	ssyncadd.s32 $0xFFFFE000  }
0x46: {  	[spmem:s3] =	stream.indirect.scatter.add.f32 [tilespmem:s21], [sflag:$0x5], $0x80, s30, s15, $0xb8;
	[tilespmem:$0x1E600] =	vst v63  }
0x47: {  	s2 =	simm.s32 $0x200;
	s8 =	sor.u32 s6, s8;
	_ =	swait.ge [sflag:s12], $0x2000  }
0x48: {  	s0 =	simm.s32 $0x400;
	s10 =	simm.s32 $0x1C0;
	[sflag:s12] =	ssyncset.done $0x0  }
.LBB2_2:
0x49: {  	s11 =	sshrl.u32 s8, $0x3;
	[sflag:s12] =	ssyncadd.s32 $0xFFFFE000  }
0x4a: {  	s8 =	smov.u32 s0;
	s9 =	sadd.s32 $0x200, s0;
	s6 =	smov.u32 s2  }
0x4b: {  	[tilespmem:s21], [sflag:$0x4] =	stream.indirect.gather [hbm4b:s1+s15], $0x80, s10, s15, $0xb8;
	[tilespmem:$0x1E600] =	vst v63  }
0x4c: {  	p0 =	sne.s32 s0, $0x4C00;
	s0 =	sadd.s32 s5, s11  }
0x4d: {  	[tilespmem:s22], [sflag:$0x5] =	stream.linear.gather [hbm4b:s0+s4], $0x200, $0x38;
	[tilespmem:$0x1E600] =	vst v63  }
0x4e: {  	_ =	swait.ge [sflag:s12], $0x200  }
0x4f: {  	[sflag:s12] =	ssyncset.done $0x0  }
0x50: {  	[sflag:s12] =	ssyncadd.s32 $0xFFFFFE00  }
0x51: {  	_ =	swait.ge [sflag:s23], $0x2000  }
0x52: {  	[sflag:s23] =	ssyncset.done $0x0  }
0x53: {  	[sflag:s23] =	ssyncadd.s32 $0xFFFFE000  }
0x54: {  	[spmem:s3] =	stream.indirect.scatter.add.f32 [tilespmem:s16], [sflag:$0x5], $0x80, s22, s15, $0xb8;
	[tilespmem:$0x1E600] =	vst v63  }
0x55: {  	_ =	swait.ge [sflag:s12], $0x2000  }
0x56: {  	[sflag:s12] =	ssyncset.done $0x0  }
0x57: {  	[sflag:s12] =	ssyncadd.s32 $0xFFFFE000  }
0x58: {  	[tilespmem:s16], [sflag:$0x1] =	stream.indirect.gather [hbm4b:s1+s15], $0x80, s2, s15, $0xb8;
	[tilespmem:$0x1E600] =	vst v63  }
0x59: {  	_ =	swait.ge [sflag:s24], $0x2000  }
0x5a: {  	[sflag:s24] =	ssyncset.done $0x0  }
0x5b: {  	[sflag:s24] =	ssyncadd.s32 $0xFFFFE000  }
0x5c: {  	[spmem:s3] =	stream.indirect.scatter.add.f32 [tilespmem:s17], [sflag:$0x5], $0x80, s25, s15, $0xb8;
	[tilespmem:$0x1E600] =	vst v63  }
0x5d: {  	_ =	swait.ge [sflag:s12], $0x2000  }
0x5e: {  	[sflag:s12] =	ssyncset.done $0x0  }
0x5f: {  	s0 =	sadd.s32 $0x40, s2;
	[sflag:s12] =	ssyncadd.s32 $0xFFFFE000  }
0x60: {  	[tilespmem:s17], [sflag:$0x2] =	stream.indirect.gather [hbm4b:s1+s15], $0x80, s0, s15, $0xb8;
	[tilespmem:$0x1E600] =	vst v63  }
0x61: {  	_ =	swait.ge [sflag:s26], $0x2000  }
0x62: {  	[sflag:s26] =	ssyncset.done $0x0  }
0x63: {  	[sflag:s26] =	ssyncadd.s32 $0xFFFFE000  }
0x64: {  	[spmem:s3] =	stream.indirect.scatter.add.f32 [tilespmem:s19], [sflag:$0x5], $0x80, s28, s15, $0xb8;
	[tilespmem:$0x1E600] =	vst v63  }
0x65: {  	_ =	swait.ge [sflag:s12], $0x2000  }
0x66: {  	[sflag:s12] =	ssyncset.done $0x0  }
0x67: {  	s0 =	sadd.s32 $0x80, s2;
	[sflag:s12] =	ssyncadd.s32 $0xFFFFE000  }
0x68: {  	[tilespmem:s19], [sflag:$0x3] =	stream.indirect.gather [hbm4b:s1+s15], $0x80, s0, s15, $0xb8;
	[tilespmem:$0x1E600] =	vst v63  }
0x69: {  	_ =	swait.ge [sflag:s29], $0x2000  }
.Ltmp0:
0x6a: {  	s10 =	sadd.s32 $0xC0, s6;
	[sflag:s29] =	ssyncset.done $0x0;
	(pc) =	sbr.rel @p0 .LBB2_2-.Ltmp0, $4  }
0x6b: {  	s2 =	sadd.s32 $0x100, s2;
	s0 =	sand.u32 $0x7C00, s8;
	[sflag:s29] =	ssyncadd.s32 $0xFFFFE000  }
0x6c: {  	[spmem:s3] =	stream.indirect.scatter.add.f32 [tilespmem:s21], [sflag:$0x5], $0x80, s30, s15, $0xb8;
	[tilespmem:$0x1E600] =	vst v63  }
0x6d: {  	s8 =	sand.u32 $0x200, s8;
	s0 =	sadd.s32 s7, s0;
	_ =	swait.ge [sflag:s12], $0x2000  }
0x6e: {  	s8 =	sor.u32 s8, s0;
	s0 =	smov.u32 s9;
	[sflag:s12] =	ssyncset.done $0x0  }
0x6f: {  	[sflag:s12] =	ssyncadd.s32 $0xFFFFE000;
	s0 =	sshrl.u32 s8, $0x3  }
0x70: {  	[tilespmem:s21], [sflag:$0x4] =	stream.indirect.gather [hbm4b:s1+s15], $0x80, s10, s15, $0xb8;
	[tilespmem:$0x1E600] =	vst v63  }
0x71: {  	s0 =	sadd.s32 s5, s0  }
0x72: {  	[tilespmem:s22], [sflag:$0x5] =	stream.linear.gather [hbm4b:s0+s4], $0x200, $0x38;
	[tilespmem:$0x1E600] =	vst v63  }
0x73: {  	_ =	swait.ge [sflag:s12], $0x200  }
0x74: {  	[sflag:s12] =	ssyncset.done $0x0  }
0x75: {  	[sflag:s12] =	ssyncadd.s32 $0xFFFFFE00  }
0x76: {  	_ =	swait.ge [sflag:s23], $0x2000  }
0x77: {  	[sflag:s23] =	ssyncset.done $0x0  }
0x78: {  	[sflag:s23] =	ssyncadd.s32 $0xFFFFE000  }
0x79: {  	[spmem:s3] =	stream.indirect.scatter.add.f32 [tilespmem:s16], [sflag:$0x5], $0x80, s22, s15, $0xb8;
	[tilespmem:$0x1E600] =	vst v63  }
0x7a: {  	_ =	swait.ge [sflag:s12], $0x2000  }
0x7b: {  	[sflag:s12] =	ssyncset.done $0x0  }
0x7c: {  	[sflag:s12] =	ssyncadd.s32 $0xFFFFE000  }
0x7d: {  	[tilespmem:s16], [sflag:$0x1] =	stream.indirect.gather [hbm4b:s1+s15], $0x80, s2, s15, $0xb8;
	[tilespmem:$0x1E600] =	vst v63  }
0x7e: {  	_ =	swait.ge [sflag:s24], $0x2000  }
0x7f: {  	[sflag:s24] =	ssyncset.done $0x0  }
0x80: {  	[sflag:s24] =	ssyncadd.s32 $0xFFFFE000  }
0x81: {  	[spmem:s3] =	stream.indirect.scatter.add.f32 [tilespmem:s17], [sflag:$0x5], $0x80, s25, s15, $0xb8;
	[tilespmem:$0x1E600] =	vst v63  }
0x82: {  	_ =	swait.ge [sflag:s12], $0x2000  }
0x83: {  	[sflag:s12] =	ssyncset.done $0x0  }
0x84: {  	s11 =	sadd.s32 $0x40, s2;
	[sflag:s12] =	ssyncadd.s32 $0xFFFFE000  }
0x85: {  	[tilespmem:s17], [sflag:$0x2] =	stream.indirect.gather [hbm4b:s1+s15], $0x80, s11, s15, $0xb8;
	[tilespmem:$0x1E600] =	vst v63  }
0x86: {  	_ =	swait.ge [sflag:s26], $0x2000  }
0x87: {  	[sflag:s26] =	ssyncset.done $0x0  }
0x88: {  	[sflag:s26] =	ssyncadd.s32 $0xFFFFE000  }
0x89: {  	[spmem:s3] =	stream.indirect.scatter.add.f32 [tilespmem:s19], [sflag:$0x5], $0x80, s28, s15, $0xb8;
	[tilespmem:$0x1E600] =	vst v63  }
0x8a: {  	_ =	swait.ge [sflag:s12], $0x2000  }
0x8b: {  	[sflag:s12] =	ssyncset.done $0x0  }
0x8c: {  	s6 =	sadd.s32 $0x80, s2;
	[sflag:s12] =	ssyncadd.s32 $0xFFFFE000  }
0x8d: {  	[tilespmem:s19], [sflag:$0x3] =	stream.indirect.gather [hbm4b:s1+s15], $0x80, s6, s15, $0xb8;
	[tilespmem:$0x1E600] =	vst v63  }
0x8e: {  	_ =	swait.ge [sflag:s29], $0x2000  }
0x8f: {  	[sflag:s29] =	ssyncset.done $0x0  }
0x90: {  	[sflag:s29] =	ssyncadd.s32 $0xFFFFE000  }
0x91: {  	[spmem:s3] =	stream.indirect.scatter.add.f32 [tilespmem:s21], [sflag:$0x5], $0x80, s30, s15, $0xb8;
	[tilespmem:$0x1E600] =	vst v63  }
0x92: {  	_ =	swait.ge [sflag:s12], $0x2000  }
0x93: {  	[sflag:s12] =	ssyncset.done $0x0  }
0x94: {  	s8 =	sadd.s32 $0xC0, s2;
	[sflag:s12] =	ssyncadd.s32 $0xFFFFE000  }
0x95: {  	[tilespmem:s21], [sflag:$0x4] =	stream.indirect.gather [hbm4b:s1+s15], $0x80, s8, s15, $0xb8;
	[tilespmem:$0x1E600] =	vst v63  }
0x96: {  	s9 =	rddreg [dreg:$0x8]  }
0x97: {  	[tilespmem:s22], [sflag:$0x5] =	stream.linear.gather [hbm4b:s9+s4], $0x200, $0x38;
	[tilespmem:$0x1E600] =	vst v63  }
0x98: {  	_ =	swait.ge [sflag:s12], $0x200  }
0x99: {  	[sflag:s12] =	ssyncset.done $0x0  }
0x9a: {  	[sflag:s12] =	ssyncadd.s32 $0xFFFFFE00  }
0x9b: {  	_ =	swait.ge [sflag:s23], $0x2000  }
0x9c: {  	[sflag:s23] =	ssyncset.done $0x0  }
0x9d: {  	[sflag:s23] =	ssyncadd.s32 $0xFFFFE000  }
0x9e: {  	[spmem:s3] =	stream.indirect.scatter.add.f32 [tilespmem:s16], [sflag:$0x5], $0x80, s22, s15, $0xb8;
	[tilespmem:$0x1E600] =	vst v63  }
0x9f: {  	_ =	swait.ge [sflag:s12], $0x2000  }
0xa0: {  	[sflag:s12] =	ssyncset.done $0x0  }
0xa1: {  	[sflag:s12] =	ssyncadd.s32 $0xFFFFE000  }
0xa2: {  	[tilespmem:s16], [sflag:$0x1] =	stream.indirect.gather [hbm4b:s1+s15], $0x80, s4, s15, $0xb8;
	[tilespmem:$0x1E600] =	vst v63  }
0xa3: {  	_ =	swait.ge [sflag:s24], $0x2000  }
0xa4: {  	[sflag:s24] =	ssyncset.done $0x0  }
0xa5: {  	[sflag:s24] =	ssyncadd.s32 $0xFFFFE000  }
0xa6: {  	[spmem:s3] =	stream.indirect.scatter.add.f32 [tilespmem:s17], [sflag:$0x5], $0x80, s25, s15, $0xb8;
	[tilespmem:$0x1E600] =	vst v63  }
0xa7: {  	_ =	swait.ge [sflag:s12], $0x2000  }
0xa8: {  	[sflag:s12] =	ssyncset.done $0x0  }
0xa9: {  	[sflag:s12] =	ssyncadd.s32 $0xFFFFE000  }
0xaa: {  	[tilespmem:s17], [sflag:$0x2] =	stream.indirect.gather [hbm4b:s1+s15], $0x80, s15, s15, $0xb8;
	[tilespmem:$0x1E600] =	vst v63  }
0xab: {  	_ =	swait.ge [sflag:s26], $0x2000  }
0xac: {  	[sflag:s26] =	ssyncset.done $0x0  }
0xad: {  	[sflag:s26] =	ssyncadd.s32 $0xFFFFE000  }
0xae: {  	[spmem:s3] =	stream.indirect.scatter.add.f32 [tilespmem:s19], [sflag:$0x5], $0x80, s28, s15, $0xb8;
	[tilespmem:$0x1E600] =	vst v63  }
0xaf: {  	_ =	swait.ge [sflag:s12], $0x2000  }
0xb0: {  	[sflag:s12] =	ssyncset.done $0x0  }
0xb1: {  	[sflag:s12] =	ssyncadd.s32 $0xFFFFE000  }
0xb2: {  	[tilespmem:s19], [sflag:$0x3] =	stream.indirect.gather [hbm4b:s1+s15], $0x80, s18, s15, $0xb8;
	[tilespmem:$0x1E600] =	vst v63  }
0xb3: {  	_ =	swait.ge [sflag:s29], $0x2000  }
0xb4: {  	[sflag:s29] =	ssyncset.done $0x0  }
0xb5: {  	[sflag:s29] =	ssyncadd.s32 $0xFFFFE000  }
0xb6: {  	[spmem:s3] =	stream.indirect.scatter.add.f32 [tilespmem:s21], [sflag:$0x5], $0x80, s30, s15, $0xb8;
	[tilespmem:$0x1E600] =	vst v63  }
0xb7: {  	_ =	swait.ge [sflag:s12], $0x2000  }
0xb8: {  	[sflag:s12] =	ssyncset.done $0x0  }
0xb9: {  	[sflag:s12] =	ssyncadd.s32 $0xFFFFE000  }
0xba: {  	[tilespmem:s21], [sflag:$0x4] =	stream.indirect.gather [hbm4b:s1+s15], $0x80, s20, s15, $0xb8;
	[tilespmem:$0x1E600] =	vst v63  }
0xbb: {  	_ =	swait.ge [sflag:s23], $0x2000  }
0xbc: {  	[sflag:s23] =	ssyncset.done $0x0  }
0xbd: {  	[sflag:s23] =	ssyncadd.s32 $0xFFFFE000  }
0xbe: {  	_ =	swait.ge [sflag:s24], $0x2000  }
0xbf: {  	[sflag:s24] =	ssyncset.done $0x0  }
0xc0: {  	[sflag:s24] =	ssyncadd.s32 $0xFFFFE000  }
0xc1: {  	_ =	swait.ge [sflag:s26], $0x2000  }
0xc2: {  	[sflag:s26] =	ssyncset.done $0x0  }
0xc3: {  	[sflag:s26] =	ssyncadd.s32 $0xFFFFE000  }
0xc4: {  	_ =	swait.ge [sflag:s29], $0x2000  }
0xc5: {  	[sflag:s29] =	ssyncset.done $0x0  }
0xc6: {  	[sflag:s29] =	ssyncadd.s32 $0xFFFFE000  }
0xc7: {  	[bflag:$0x0] =	sbarrier.arrive $0xFFFF  }
0xc8: {  	s10 =	rddreg [dreg:$0x6]  }
0xc9: {  	[hbm:s10], [sflag:s13] =	dma.local [spmem:s14], $0x2780  }
0xca: {  	_ =	swait.ge [sflag:s12], $0x2780  }
0xcb: {  	s31 =	sadd.s32 $0x1, s31;
	s11 =	rddreg [dreg:$0x7]  }
0xcc: {  	p0 =	sne.s32 s31, s11  }
.Ltmp1:
0xcd: {  	_ = 	snop;
	(pc) =	sbr.rel @p0 .LBB2_1-.Ltmp1, $3  }
0xce: {  	_ =	sdelay $0x1  }
0xcf: {  	[sflag:s12] =	ssyncset.done $0x0  }
0xd0: {  	[sflag:s12] =	ssyncadd.s32 $0xFFFFD880  }
0xd1: {  	_ =	sfence.sel $0x180000  }
0xd2: {  	[bflag:$0x0] =	sbarrier.arrive $0xFFFF  }
0xd3: {  	_ =	strace $0x9000004A  }
0xd4: {  	s0 =	stileid.u32;
	[bflag:$0x2] =	sbarrier.arrive $0xFFFF  }
0xd5: {  	p0 =	sne.s32 s0, $0x0;
	s0 =	rddreg [dreg:$0x3]  }
0xd6: {  	s0 =	sadd.s32 @!p0 $0x100000, s0  }
0xd7: {  	[sflag:s0] =	ssyncadd.tile.s32 @!p0 $0x1;
	_ =	shalt  }
.Lfunc_end2:
_tile_overlayer_lowered:
.L_overlay_start_2:
0xd8: {  	(tag) =	ssettag $0x2  }
0xd9: {  	s0 =	rddreg [dreg:$0x0];
	s2 =	stileid.u32  }
0xda: {  	s1 =	rddreg [dreg:$0x1];
	p0 =	sne.s32 s2, $0x0  }
0xdb: {  	s3 =	rddreg [dreg:$0x2];
	[bflag:$0x3] =	sbarrier.arrive $0xFFFF;
	s2 =	simm.s32 @!p0 $0x1C05  }
0xdc: {  	[timem:s3], [sflag:s2] =	dma.local @!p0 [hbm:s0], s1  }
0xdd: {  	s0 =	simm.s32 @!p0 $0x5  }
0xde: {  	_ =	swait.ge @!p0 [sflag:s0], s1  }
0xdf: {  	s1 =	ssub.s32 @!p0 $0x0, s1;
	[sflag:s0] =	ssyncset.done @!p0 $0x0  }
0xe0: {  	[sflag:s0] =	ssyncadd.s32 @!p0 s1  }
0xe1: {  	[bflag:$0x3] =	sbarrier.arrive $0xFFFF  }
0xe2: {  	_ =	shalt  }

// kernel: kernel.14.cloned.1.call-start
scs
__scs_entry_jumppad:
0x0: {  	(pc) =	sbr.rel $0x88, $3  }
0x1: {  	(tag) =	ssettag $0x0;
	lr =	simm.s32 $0x1  }
0x2: {  	[smem:$0x3F9B] =	sst lr;
	_ =	strace $0xD0000000  }
0x3: {  	_ = 	snop  }
0x4: {  	_ = 	snop  }
0x5: {  	_ = 	snop  }
0x6: {  	_ = 	snop  }
0x7: {  	_ = 	snop  }
__scs_overlays_trampoline_lowered:
0x8: {  	[smem:$0x3FAA] =	sst s0  }
0x9: {  	[smem:$0x3FAB] =	sst s1  }
0xa: {  	[smem:$0x3FAC] =	sst s2  }
0xb: {  	[smem:$0x3FAD] =	sst s3  }
0xc: {  	[smem:$0x3FAE] =	sst s4  }
0xd: {  	[smem:$0x3FAF] =	sst s5  }
0xe: {  	[smem:$0x3FB0] =	sst s6  }
0xf: {  	[smem:$0x3FB1] =	sst s7  }
0x10: {  	[smem:$0x3FB2] =	sst s8  }
0x11: {  	[smem:$0x3FB3] =	sst s9;
	s0 =	simm.s32 @!p0 $0x0  }
0x12: {  	s1 =	sld [smem:$0x3F99];
	s0 =	simm.s32 @p0 $0x1  }
0x13: {  	[smem:$0x3FB4] =	sst s0;
	s0 =	simm.s32 @!p1 $0x0  }
0x14: {  	s2 =	sld [smem:$0x3F98];
	s0 =	simm.s32 @p1 $0x1  }
0x15: {  	[smem:$0x3FB5] =	sst s0;
	s0 =	simm.s32 @!p2 $0x0  }
0x16: {  	s3 =	sld [smem:$0x3FDB];
	s0 =	simm.s32 @p2 $0x1  }
0x17: {  	s4 =	simm.s32 $0x1BF5;
	[smem:$0x3FB7] =	sst s0  }
0x18: {  	s0 =	sld [smem:$0x3F9A];
	_ =	swait.ge [sflag:s4], $0x0  }
0x19: {  	s7 =	sld [smem:$0x3F9B]  }
0x1a: {  	s8 =	sadd.s32 $0xFFFFE003, lr  }
0x1b: {  	s9 =	sadd.s32 $0xFFFFFEF7, lr;
	s5 =	simm.s32 $0xFFFFFFFF;
	p2 =	slt.u32 s8, $0xFFFFF086  }
0x1c: {  	p1 =	slt.u32 s9, $0xF7A;
	s5 =	simm.s32 @!p2 $0x0  }
0x1d: {  	s5 =	simm.s32 @p1 $0x1;
	p0 =	seq.s32 s7, s2  }
0x1e: {  	s7 =	smul.u32 @!p0 $0xF7A, s2;
	p2 =	seq.s32 @!p0 s5, $0x0  }
0x1f: {  	s9 =	smul.u32 $0xF7A, s1;
	s8 =	simm.s32 @!p0 $0x1BF5;
	p2 =	por !p2, p0  }
0x20: {  	[sflag:s8] =	ssyncset.s32 @!p0 $0xFFFFF086;
	s6 =	sadd.s32 @!p0 s3, s7;
	s7 =	simm.s32 @!p0 $0x108  }
0x21: {  	s3 =	sadd.s32 s3, s9;
	s6 =	sadd.s32 @!p0 $0x88, s6;
	s7 =	simm.s32 @p2 $0x1082  }
0x22: {  	[simem:s7], [sflag:s8] =	dma.local @!p0 [hbm:s6], $0xF7A  }
0x23: {  	s9 =	sor.u32 $0xD0000000, s2;
	s6 =	simm.s32 $0x108;
	_ =	swait.ge @!p0 [sflag:s8], $0x0  }
0x24: {  	s3 =	sadd.s32 $0x88, s3;
	s6 =	simm.s32 @!p1 $0x1082;
	[sflag:s4] =	ssyncset.s32 $0xFFFFF086  }
0x25: {  	[simem:s6], [sflag:s4] =	dma.local [hbm:s3], $0xF7A  }
0x26: {  	[smem:$0x3F9B] =	sst s1;
	(tag) =	ssettag s2;
	_ =	strace s9  }
0x27: {  	s1 =	sld [smem:$0x3FAB]  }
0x28: {  	s2 =	sld [smem:$0x3FAC]  }
0x29: {  	s4 =	sld [smem:$0x3FAE]  }
0x2a: {  	p0 =	seq.s32 s5, $0x0;
	s5 =	sld [smem:$0x3FAF]  }
0x2b: {  	s6 =	sld [smem:$0x3FB0]  }
0x2c: {  	s7 =	sld [smem:$0x3FB1]  }
0x2d: {  	s3 =	simm.s32 $0x108;
	s8 =	sld [smem:$0x3FB2]  }
0x2e: {  	s3 =	simm.s32 @!p0 $0x1082;
	s9 =	sld [smem:$0x3FB3]  }
0x2f: {  	lr =	sadd.s32 s0, s3;
	s0 =	sld [smem:$0x3FAA]  }
0x30: {  	s3 =	sld [smem:$0x3FAD]  }
0x31: {  	[smem:$0x3FB6] =	sst s10  }
0x32: {  	s10 =	sld [smem:$0x3FB4];
	_ =	sdelay $0x3  }
0x33: {  	p0 =	seq.s32 s10, $0x1;
	s10 =	sld [smem:$0x3FB6];
	_ =	sdelay $0x3  }
0x34: {  	[smem:$0x3FB6] =	sst s10  }
0x35: {  	s10 =	sld [smem:$0x3FB5];
	_ =	sdelay $0x3  }
0x36: {  	p1 =	seq.s32 s10, $0x1;
	s10 =	sld [smem:$0x3FB6];
	_ =	sdelay $0x3  }
0x37: {  	[smem:$0x3FB6] =	sst s10  }
0x38: {  	s10 =	sld [smem:$0x3FB7]  }
0x39: {  	_ = 	snop;
	(pc) =	sbr.ind lr, $3  }
0x3a: {  	_ = 	snop  }
0x3b: {  	_ = 	snop  }
0x3c: {  	p2 =	seq.s32 s10, $0x1;
	s10 =	sld [smem:$0x3FB6]  }
0x3d: {  	_ =	shalt  }
0x3e: {  	_ =	shalt  }
0x3f: {  	_ =	shalt  }
0x40: {  	_ =	shalt  }
0x41: {  	_ =	shalt  }
0x42: {  	_ =	shalt  }
0x43: {  	_ =	shalt  }
0x44: {  	_ =	shalt  }
0x45: {  	_ =	shalt  }
0x46: {  	_ =	shalt  }
0x47: {  	_ =	shalt  }
0x48: {  	_ =	shalt  }
0x49: {  	_ =	shalt  }
0x4a: {  	_ =	shalt  }
0x4b: {  	_ =	shalt  }
0x4c: {  	_ =	shalt  }
0x4d: {  	_ =	shalt  }
0x4e: {  	_ =	shalt  }
0x4f: {  	_ =	shalt  }
0x50: {  	_ =	shalt  }
0x51: {  	_ =	shalt  }
0x52: {  	_ =	shalt  }
0x53: {  	_ =	shalt  }
0x54: {  	_ =	shalt  }
0x55: {  	_ =	shalt  }
0x56: {  	_ =	shalt  }
0x57: {  	_ =	shalt  }
0x58: {  	_ =	shalt  }
0x59: {  	_ =	shalt  }
0x5a: {  	_ =	shalt  }
0x5b: {  	_ =	shalt  }
0x5c: {  	_ =	shalt  }
0x5d: {  	_ =	shalt  }
0x5e: {  	_ =	shalt  }
0x5f: {  	_ =	shalt  }
0x60: {  	_ =	shalt  }
0x61: {  	_ =	shalt  }
0x62: {  	_ =	shalt  }
0x63: {  	_ =	shalt  }
0x64: {  	_ =	shalt  }
0x65: {  	_ =	shalt  }
0x66: {  	_ =	shalt  }
0x67: {  	_ =	shalt  }
0x68: {  	_ =	shalt  }
0x69: {  	_ =	shalt  }
0x6a: {  	_ =	shalt  }
0x6b: {  	_ =	shalt  }
0x6c: {  	_ =	shalt  }
0x6d: {  	_ =	shalt  }
0x6e: {  	_ =	shalt  }
0x6f: {  	_ =	shalt  }
0x70: {  	_ =	shalt  }
0x71: {  	_ =	shalt  }
0x72: {  	_ =	shalt  }
0x73: {  	_ =	shalt  }
0x74: {  	_ =	shalt  }
0x75: {  	_ =	shalt  }
0x76: {  	_ =	shalt  }
0x77: {  	_ =	shalt  }
0x78: {  	_ =	shalt  }
0x79: {  	_ =	shalt  }
0x7a: {  	_ =	shalt  }
0x7b: {  	_ =	shalt  }
0x7c: {  	_ =	shalt  }
0x7d: {  	_ =	shalt  }
0x7e: {  	_ =	shalt  }
0x7f: {  	_ =	shalt  }
0x80: {  	_ =	shalt  }
0x81: {  	_ =	shalt  }
0x82: {  	_ =	shalt  }
0x83: {  	_ =	shalt  }
0x84: {  	_ =	shalt  }
0x85: {  	_ =	shalt  }
0x86: {  	_ =	shalt  }
0x87: {  	_ =	shalt  }
.Lfunc_end0:
.L_simem_size_0:
called_computation.2_lowered:
.L_overlay_start_0:
0x88: {  	s2 =	sld [smem:$0x3FD9]  }
0x89: {  	s3 =	sld [smem:$0x3FFE];
	_ =	sdelay $0x1  }
0x8a: {  	s1 =	srdreg.scid  }
0x8b: {  	s0 =	sand.u32 $0x1, s1  }
0x8c: {  	s17 =	sshll.u32 s0, $0xA;
	s2 =	sadd.s32 s3, s2  }
0x8d: {  	s2 =	sadd.s32 s2, s17  }
0x8e: {  	[smem:$0x3FC2] =	sst s2  }
0x8f: {  	_ = 	snop  }
0x90: {  	s2 =	sld [smem:$0x3FD0];
	(tm) =	ssettm $0x1  }
0x91: {  	s18 =	sld [smem:$0x3FFB];
	_ =	sdelay $0x3  }
0x92: {  	_ =	strace s18  }
0x93: {  	s3 =	sld [smem:$0x3FFC];
	_ =	sdelay $0x3  }
0x94: {  	_ =	strace s3  }
0x95: {  	s3 =	sld [smem:$0x3FFD];
	_ =	sdelay $0x3  }
0x96: {  	_ =	strace s3  }
0x97: {  	_ =	strace $0x8FFFFFFF  }
0x98: {  	s19 =	sld [smem:$0x3FDB];
	_ =	sdelay $0x1  }
0x99: {  	s4 =	simm.s32 $_scs_section_size  }
0x9a: {  	s5 =	simm.s32 $_size__tile_overlayer_lowered;
	s6 =	simm.s32 $_tile_overlayer_lowered  }
0x9b: {  	s22 =	simm.s32 $0x1BFF;
	s21 =	sshll.u32 s6, $0x1;
	s3 =	sadd.s32 s4, s19  }
0x9c: {  	s7 =	simm.s32 $0x0;
	s20 =	sshll.u32 s5, $0x1;
	s5 =	sadd.s32 s21, s3  }
0x9d: {  	[timem:s7], [sflag:s22] =	dma.local [hbm:s5], s20  }
0x9e: {  	_ =	swait.ge [sflag:s22], s20  }
0x9f: {  	s4 =	ssub.s32 $0x0, s20;
	[sflag:s22] =	ssyncset.done $0x0  }
0xa0: {  	[sflag:s22] =	ssyncadd.s32 s4;
	_ =	sdelay $0x1  }
0xa1: {  	s23 =	simm.s32 $0x1B8B  }
0xa2: {  	_ =	swait.ge [sflag:s23], $0x1  }
0xa3: {  	[sflag:s23] =	ssyncset.done $0x0  }
0xa4: {  	s25 =	simm.s32 $0x1B8E;
	s24 =	sld [smem:$0x3FFE];
	[sflag:s23] =	ssyncadd.s32 $0xFFFFFFFF  }
0xa5: {  	s26 =	simm.s32 $execute0_lowered;
	[smem:$0x3FD2] =	sst s25  }
0xa6: {  	s5 =	sshll.u32 s26, $0x1;
	_ =	strace $0x8000004C;
	[dreg:$0x1] =	wrdreg $0xFFFFFFFF  }
0xa7: {  	s28 =	simm.s32 $_size_execute0_lowered;
	s3 =	sadd.s32 s3, s5;
	[dreg:$0x0] =	wrdreg $0x0  }
0xa8: {  	s5 =	sshll.u32 s28, $0x1;
	[dreg:$0x2] =	wrdreg s3  }
0xa9: {  	[dreg:$0x3] =	wrdreg s5  }
0xaa: {  	[dreg:$0x4] =	wrdreg $0xC0  }
0xab: {  	_ =	task [dreg:s7], $0x5FFFF  }
0xac: {  	[dreg:$0x1] =	wrdreg $0xFFFFFFFF  }
0xad: {  	[dreg:$0x0] =	wrdreg $0x60  }
0xae: {  	[dreg:$0x2] =	wrdreg s2  }
0xaf: {  	[dreg:$0x3] =	wrdreg s24  }
0xb0: {  	[dreg:$0x4] =	wrdreg $0xAA000  }
0xb1: {  	[dreg:$0x5] =	wrdreg $0x9  }
0xb2: {  	_ =	task.clear_ibuf [dreg:s7], $0x6FFFF;
	_ =	strace $0x9000004C  }
0xb3: {  	s29 =	simm.s32 $0x9;
	_ =	strace $0x8000004E  }
0xb4: {  	_ =	swait.ge [sflag:s29], $0x1  }
0xb5: {  	[sflag:s29] =	ssyncadd.s32 $0xFFFFFFFF  }
0xb6: {  	_ =	strace $0x9000004E  }
0xb7: {  	_ =	sfence  }
0xb8: {  	s30 =	sld [smem:$0x0];
	_ =	sdelay $0x2  }
0xb9: {  	s31 =	sshll.u32 s1, $0xD;
	s1 =	sshrl.u32 s1, $0x2  }
0xba: {  	s3 =	sand.u32 $0x4000, s31;
	s1 =	sadd.s32 s1, s30  }
0xbb: {  	s0 =	sor.u32 s3, s0;
	s1 =	sshll.u32 s1, $0x11  }
0xbc: {  	s0 =	sor.u32 s1, s0  }
0xbd: {  	s0 =	sadd.s32 $0x8F2B, s0  }
0xbe: {  	[sflag:s0] =	ssyncadd.remote.s32 $0x1  }
0xbf: {  	_ =	sfence.sel $0xFFFF  }
0xc0: {  	[dreg:$0x0] =	wrdreg $0xFFFFFFFF;
	(pc) =	sbr.abs _section_cstart, $3  }
0xc1: {  	[dreg:$0x1] =	wrdreg $0xFFFFFFFF  }
0xc2: {  	_ =	task.clear_ibuf [dreg:s7], $0x2FFFF;
	_ =	strace $0x9FFFFFFF  }
0xc3: {  	(tm) =	ssettm $0x7FFFFFFF  }
tec
execute0_lowered:
.L_overlay_start_1:
0x0: {  	(tag) =	ssettag $0x1  }
0x1: {  	s1 =	rddreg [dreg:$0x0];
	s0 =	srdreg.scid  }
0x2: {  	s13 =	stileid.u32;
	s2 =	rddreg [dreg:$0x1]  }
0x3: {  	s3 =	rddreg [dreg:$0x2];
	s12 =	simm.s32 $0x5;
	s15 =	simm.s32 $0x40  }
0x4: {  	s16 =	simm.s32 $0x2A00;
	s17 =	simm.s32 $0x4A00;
	s18 =	simm.s32 $0x80  }
0x5: {  	s19 =	simm.s32 $0x6A00;
	s28 =	simm.s32 $0x2900;
	s29 =	simm.s32 $0x4  }
0x6: {  	s30 =	simm.s32 $0x2980;
	s31 =	simm.s32 $0x0;
	s0 =	sand.u32 $0x1, s0  }
0x7: {  	s4 =	sshll.u32 s13, $0x1;
	s8 =	smul.u32 $0x13C00, s13;
	s10 =	sadd.s32 $0xCA00, s2  }
0x8: {  	s20 =	smul.u32 $0x4F000, s13;
	s26 =	sshll.u32 s13, $0x6;
	s6 =	sor.u32 s0, s4  }
0x9: {  	s4 =	simm.s32 $0x0;
	s7 =	smul.u32 $0x13C000, s0;
	s0 =	ssub.s32 $0x2, s0  }
0xa: {  	s13 =	sor.u32 $0x1C05, s26;
	s26 =	simm.s32 $0x3;
	s5 =	smul.u32 $0x500, s6  }
0xb: {  	[smem:$0x7FF] =	sst s4;
	s11 =	sshrl.u32 s0, $0x1;
	s22 =	sshrl.u32 s20, $0x2  }
0xc: {  	s20 =	simm.s32 $0xC0;
	_ =	strace $0x8000004D;
	[dreg:$0x4] =	wrdreg s10  }
0xd: {  	s7 =	sadd.s32 s8, s7;
	s0 =	ssub.s32 s0, s11;
	s9 =	sadd.s32 s5, s2  }
0xe: {  	s5 =	sadd.s32 $0x16E00, s2;
	s21 =	sshrl.u32 s7, $0x3;
	s7 =	smul.u32 $0x5000, s6  }
0xf: {  	s6 =	sadd.s32 s22, s3;
	s0 =	smax.u32 s0, $0x1;
	s22 =	simm.s32 $0x2800  }
0x10: {  	s2 =	sadd.s32 s21, s2;
	s23 =	sadd.s32 $0x2A00, s9;
	[dreg:$0x7] =	wrdreg s0  }
0x11: {  	s14 =	sshrl.u32 s6, $0x3;
	s21 =	simm.s32 $0x8A00;
	s24 =	sshrl.u32 s7, $0x3  }
0x12: {  	[dreg:$0x5] =	wrdreg s23;
	s2 =	sadd.s32 $0x2AE00, s2;
	s25 =	sadd.s32 s5, s24  }
0x13: {  	s23 =	simm.s32 $0x1;
	[dreg:$0x6] =	wrdreg s2;
	s0 =	sadd.s32 $0x9C0, s25  }
0x14: {  	s24 =	simm.s32 $0x2;
	s25 =	simm.s32 $0x2880;
	[dreg:$0x8] =	wrdreg s0  }
.LBB2_1:
0x15: {  	s0 =	rddreg [dreg:$0x5]  }
0x16: {  	[tilespmem:s4], [sflag:$0x5] =	stream.linear.gather [hbm4b:s0+s4], $0x2800, $0x38;
	[tilespmem:$0x1E600] =	vst v63  }
0x17: {  	_ =	swait.ge [sflag:s12], $0x2800  }
0x18: {  	[sflag:s12] =	ssyncset.done $0x0  }
0x19: {  	s6 =	rddreg [dreg:$0x4];
	[sflag:s12] =	ssyncadd.s32 $0xFFFFD800  }
0x1a: {  	[spmem:s14], [sflag:s13] =	dma.local [hbm:s6], $0x2780  }
0x1b: {  	_ =	swait.ge [sflag:s12], $0x2780  }
0x1c: {  	[sflag:s12] =	ssyncset.done $0x0  }
0x1d: {  	[sflag:s12] =	ssyncadd.s32 $0xFFFFD880  }
0x1e: {  	s8 =	sand.u32 $0x7C00, s4;
	[bflag:$0x0] =	sbarrier.arrive $0xFFFF  }
0x1f: {  	[tilespmem:s16], [sflag:$0x1] =	stream.indirect.gather [hbm4b:s1+s15], $0x80, s4, s15, $0xb8;
	[tilespmem:$0x1E600] =	vst v63  }
0x20: {  	s2 =	sand.u32 $0x200, s4;
	s0 =	sadd.s32 s7, s8  }
0x21: {  	[tilespmem:s17], [sflag:$0x2] =	stream.indirect.gather [hbm4b:s1+s15], $0x80, s15, s15, $0xb8;
	[tilespmem:$0x1E600] =	vst v63  }
0x22: {  	s0 =	sor.u32 s2, s0  }
0x23: {  	[tilespmem:s19], [sflag:$0x3] =	stream.indirect.gather [hbm4b:s1+s15], $0x80, s18, s15, $0xb8;
	[tilespmem:$0x1E600] =	vst v63  }
0x24: {  	s0 =	sshrl.u32 s0, $0x3  }
0x25: {  	[tilespmem:s21], [sflag:$0x4] =	stream.indirect.gather [hbm4b:s1+s15], $0x80, s20, s15, $0xb8;
	[tilespmem:$0x1E600] =	vst v63  }
0x26: {  	s0 =	sadd.s32 s5, s0  }
0x27: {  	[tilespmem:s22], [sflag:$0x5] =	stream.linear.gather [hbm4b:s0+s4], $0x200, $0x38;
	[tilespmem:$0x1E600] =	vst v63  }
0x28: {  	_ =	swait.ge [sflag:s12], $0x200  }
0x29: {  	[sflag:s12] =	ssyncset.done $0x0  }
0x2a: {  	[sflag:s12] =	ssyncadd.s32 $0xFFFFFE00  }
0x2b: {  	_ =	swait.ge [sflag:s23], $0x2000  }
0x2c: {  	[sflag:s23] =	ssyncset.done $0x0  }
0x2d: {  	[sflag:s23] =	ssyncadd.s32 $0xFFFFE000  }
0x2e: {  	[spmem:s3] =	stream.indirect.scatter.add.f32 [tilespmem:s16], [sflag:$0x5], $0x80, s22, s15, $0xb8;
	[tilespmem:$0x1E600] =	vst v63  }
0x2f: {  	_ =	swait.ge [sflag:s12], $0x2000  }
0x30: {  	[sflag:s12] =	ssyncset.done $0x0  }
0x31: {  	s9 =	simm.s32 $0x100;
	[sflag:s12] =	ssyncadd.s32 $0xFFFFE000  }
0x32: {  	[tilespmem:s16], [sflag:$0x1] =	stream.indirect.gather [hbm4b:s1+s15], $0x80, s9, s15, $0xb8;
	[tilespmem:$0x1E600] =	vst v63  }
0x33: {  	_ =	swait.ge [sflag:s24], $0x2000  }
0x34: {  	[sflag:s24] =	ssyncset.done $0x0  }
0x35: {  	[sflag:s24] =	ssyncadd.s32 $0xFFFFE000  }
0x36: {  	[spmem:s3] =	stream.indirect.scatter.add.f32 [tilespmem:s17], [sflag:$0x5], $0x80, s25, s15, $0xb8;
	[tilespmem:$0x1E600] =	vst v63  }
0x37: {  	_ =	swait.ge [sflag:s12], $0x2000  }
0x38: {  	[sflag:s12] =	ssyncset.done $0x0  }
0x39: {  	s10 =	simm.s32 $0x140;
	[sflag:s12] =	ssyncadd.s32 $0xFFFFE000  }
0x3a: {  	[tilespmem:s17], [sflag:$0x2] =	stream.indirect.gather [hbm4b:s1+s15], $0x80, s10, s15, $0xb8;
	[tilespmem:$0x1E600] =	vst v63  }
0x3b: {  	_ =	swait.ge [sflag:s26], $0x2000  }
0x3c: {  	[sflag:s26] =	ssyncset.done $0x0  }
0x3d: {  	[sflag:s26] =	ssyncadd.s32 $0xFFFFE000  }
0x3e: {  	[spmem:s3] =	stream.indirect.scatter.add.f32 [tilespmem:s19], [sflag:$0x5], $0x80, s28, s15, $0xb8;
	[tilespmem:$0x1E600] =	vst v63  }
0x3f: {  	_ =	swait.ge [sflag:s12], $0x2000  }
0x40: {  	[sflag:s12] =	ssyncset.done $0x0  }
0x41: {  	s11 =	simm.s32 $0x180;
	[sflag:s12] =	ssyncadd.s32 $0xFFFFE000  }
0x42: {  	[tilespmem:s19], [sflag:$0x3] =	stream.indirect.gather [hbm4b:s1+s15], $0x80, s11, s15, $0xb8;
	[tilespmem:$0x1E600] =	vst v63  }
0x43: {  	s6 =	simm.s32 $0x200;
	_ =	swait.ge [sflag:s29], $0x2000  }
0x44: {  	s8 =	sand.u32 $0x7C00, s6;
	[sflag:s29] =	ssyncset.done $0x0  }
0x45: {  	s6 =	sand.u32 $0x200, s6;
	s8 =	sadd.s32 s7, s8;
	[sflag:s29] =	ssyncadd.s32 $0xFFFFE000  }
0x46: {  	[spmem:s3] =	stream.indirect.scatter.add.f32 [tilespmem:s21], [sflag:$0x5], $0x80, s30, s15, $0xb8;
	[tilespmem:$0x1E600] =	vst v63  }
0x47: {  	s2 =	simm.s32 $0x200;
	s8 =	sor.u32 s6, s8;
	_ =	swait.ge [sflag:s12], $0x2000  }
0x48: {  	s0 =	simm.s32 $0x400;
	s10 =	simm.s32 $0x1C0;
	[sflag:s12] =	ssyncset.done $0x0  }
.LBB2_2:
0x49: {  	s11 =	sshrl.u32 s8, $0x3;
	[sflag:s12] =	ssyncadd.s32 $0xFFFFE000  }
0x4a: {  	s8 =	smov.u32 s0;
	s9 =	sadd.s32 $0x200, s0;
	s6 =	smov.u32 s2  }
0x4b: {  	[tilespmem:s21], [sflag:$0x4] =	stream.indirect.gather [hbm4b:s1+s15], $0x80, s10, s15, $0xb8;
	[tilespmem:$0x1E600] =	vst v63  }
0x4c: {  	p0 =	sne.s32 s0, $0x4C00;
	s0 =	sadd.s32 s5, s11  }
0x4d: {  	[tilespmem:s22], [sflag:$0x5] =	stream.linear.gather [hbm4b:s0+s4], $0x200, $0x38;
	[tilespmem:$0x1E600] =	vst v63  }
0x4e: {  	_ =	swait.ge [sflag:s12], $0x200  }
0x4f: {  	[sflag:s12] =	ssyncset.done $0x0  }
0x50: {  	[sflag:s12] =	ssyncadd.s32 $0xFFFFFE00  }
0x51: {  	_ =	swait.ge [sflag:s23], $0x2000  }
0x52: {  	[sflag:s23] =	ssyncset.done $0x0  }
0x53: {  	[sflag:s23] =	ssyncadd.s32 $0xFFFFE000  }
0x54: {  	[spmem:s3] =	stream.indirect.scatter.add.f32 [tilespmem:s16], [sflag:$0x5], $0x80, s22, s15, $0xb8;
	[tilespmem:$0x1E600] =	vst v63  }
0x55: {  	_ =	swait.ge [sflag:s12], $0x2000  }
0x56: {  	[sflag:s12] =	ssyncset.done $0x0  }
0x57: {  	[sflag:s12] =	ssyncadd.s32 $0xFFFFE000  }
0x58: {  	[tilespmem:s16], [sflag:$0x1] =	stream.indirect.gather [hbm4b:s1+s15], $0x80, s2, s15, $0xb8;
	[tilespmem:$0x1E600] =	vst v63  }
0x59: {  	_ =	swait.ge [sflag:s24], $0x2000  }
0x5a: {  	[sflag:s24] =	ssyncset.done $0x0  }
0x5b: {  	[sflag:s24] =	ssyncadd.s32 $0xFFFFE000  }
0x5c: {  	[spmem:s3] =	stream.indirect.scatter.add.f32 [tilespmem:s17], [sflag:$0x5], $0x80, s25, s15, $0xb8;
	[tilespmem:$0x1E600] =	vst v63  }
0x5d: {  	_ =	swait.ge [sflag:s12], $0x2000  }
0x5e: {  	[sflag:s12] =	ssyncset.done $0x0  }
0x5f: {  	s0 =	sadd.s32 $0x40, s2;
	[sflag:s12] =	ssyncadd.s32 $0xFFFFE000  }
0x60: {  	[tilespmem:s17], [sflag:$0x2] =	stream.indirect.gather [hbm4b:s1+s15], $0x80, s0, s15, $0xb8;
	[tilespmem:$0x1E600] =	vst v63  }
0x61: {  	_ =	swait.ge [sflag:s26], $0x2000  }
0x62: {  	[sflag:s26] =	ssyncset.done $0x0  }
0x63: {  	[sflag:s26] =	ssyncadd.s32 $0xFFFFE000  }
0x64: {  	[spmem:s3] =	stream.indirect.scatter.add.f32 [tilespmem:s19], [sflag:$0x5], $0x80, s28, s15, $0xb8;
	[tilespmem:$0x1E600] =	vst v63  }
0x65: {  	_ =	swait.ge [sflag:s12], $0x2000  }
0x66: {  	[sflag:s12] =	ssyncset.done $0x0  }
0x67: {  	s0 =	sadd.s32 $0x80, s2;
	[sflag:s12] =	ssyncadd.s32 $0xFFFFE000  }
0x68: {  	[tilespmem:s19], [sflag:$0x3] =	stream.indirect.gather [hbm4b:s1+s15], $0x80, s0, s15, $0xb8;
	[tilespmem:$0x1E600] =	vst v63  }
0x69: {  	_ =	swait.ge [sflag:s29], $0x2000  }
.Ltmp0:
0x6a: {  	s10 =	sadd.s32 $0xC0, s6;
	[sflag:s29] =	ssyncset.done $0x0;
	(pc) =	sbr.rel @p0 .LBB2_2-.Ltmp0, $4  }
0x6b: {  	s2 =	sadd.s32 $0x100, s2;
	s0 =	sand.u32 $0x7C00, s8;
	[sflag:s29] =	ssyncadd.s32 $0xFFFFE000  }
0x6c: {  	[spmem:s3] =	stream.indirect.scatter.add.f32 [tilespmem:s21], [sflag:$0x5], $0x80, s30, s15, $0xb8;
	[tilespmem:$0x1E600] =	vst v63  }
0x6d: {  	s8 =	sand.u32 $0x200, s8;
	s0 =	sadd.s32 s7, s0;
	_ =	swait.ge [sflag:s12], $0x2000  }
0x6e: {  	s8 =	sor.u32 s8, s0;
	s0 =	smov.u32 s9;
	[sflag:s12] =	ssyncset.done $0x0  }
0x6f: {  	[sflag:s12] =	ssyncadd.s32 $0xFFFFE000;
	s0 =	sshrl.u32 s8, $0x3  }
0x70: {  	[tilespmem:s21], [sflag:$0x4] =	stream.indirect.gather [hbm4b:s1+s15], $0x80, s10, s15, $0xb8;
	[tilespmem:$0x1E600] =	vst v63  }
0x71: {  	s0 =	sadd.s32 s5, s0  }
0x72: {  	[tilespmem:s22], [sflag:$0x5] =	stream.linear.gather [hbm4b:s0+s4], $0x200, $0x38;
	[tilespmem:$0x1E600] =	vst v63  }
0x73: {  	_ =	swait.ge [sflag:s12], $0x200  }
0x74: {  	[sflag:s12] =	ssyncset.done $0x0  }
0x75: {  	[sflag:s12] =	ssyncadd.s32 $0xFFFFFE00  }
0x76: {  	_ =	swait.ge [sflag:s23], $0x2000  }
0x77: {  	[sflag:s23] =	ssyncset.done $0x0  }
0x78: {  	[sflag:s23] =	ssyncadd.s32 $0xFFFFE000  }
0x79: {  	[spmem:s3] =	stream.indirect.scatter.add.f32 [tilespmem:s16], [sflag:$0x5], $0x80, s22, s15, $0xb8;
	[tilespmem:$0x1E600] =	vst v63  }
0x7a: {  	_ =	swait.ge [sflag:s12], $0x2000  }
0x7b: {  	[sflag:s12] =	ssyncset.done $0x0  }
0x7c: {  	[sflag:s12] =	ssyncadd.s32 $0xFFFFE000  }
0x7d: {  	[tilespmem:s16], [sflag:$0x1] =	stream.indirect.gather [hbm4b:s1+s15], $0x80, s2, s15, $0xb8;
	[tilespmem:$0x1E600] =	vst v63  }
0x7e: {  	_ =	swait.ge [sflag:s24], $0x2000  }
0x7f: {  	[sflag:s24] =	ssyncset.done $0x0  }
0x80: {  	[sflag:s24] =	ssyncadd.s32 $0xFFFFE000  }
0x81: {  	[spmem:s3] =	stream.indirect.scatter.add.f32 [tilespmem:s17], [sflag:$0x5], $0x80, s25, s15, $0xb8;
	[tilespmem:$0x1E600] =	vst v63  }
0x82: {  	_ =	swait.ge [sflag:s12], $0x2000  }
0x83: {  	[sflag:s12] =	ssyncset.done $0x0  }
0x84: {  	s11 =	sadd.s32 $0x40, s2;
	[sflag:s12] =	ssyncadd.s32 $0xFFFFE000  }
0x85: {  	[tilespmem:s17], [sflag:$0x2] =	stream.indirect.gather [hbm4b:s1+s15], $0x80, s11, s15, $0xb8;
	[tilespmem:$0x1E600] =	vst v63  }
0x86: {  	_ =	swait.ge [sflag:s26], $0x2000  }
0x87: {  	[sflag:s26] =	ssyncset.done $0x0  }
0x88: {  	[sflag:s26] =	ssyncadd.s32 $0xFFFFE000  }
0x89: {  	[spmem:s3] =	stream.indirect.scatter.add.f32 [tilespmem:s19], [sflag:$0x5], $0x80, s28, s15, $0xb8;
	[tilespmem:$0x1E600] =	vst v63  }
0x8a: {  	_ =	swait.ge [sflag:s12], $0x2000  }
0x8b: {  	[sflag:s12] =	ssyncset.done $0x0  }
0x8c: {  	s6 =	sadd.s32 $0x80, s2;
	[sflag:s12] =	ssyncadd.s32 $0xFFFFE000  }
0x8d: {  	[tilespmem:s19], [sflag:$0x3] =	stream.indirect.gather [hbm4b:s1+s15], $0x80, s6, s15, $0xb8;
	[tilespmem:$0x1E600] =	vst v63  }
0x8e: {  	_ =	swait.ge [sflag:s29], $0x2000  }
0x8f: {  	[sflag:s29] =	ssyncset.done $0x0  }
0x90: {  	[sflag:s29] =	ssyncadd.s32 $0xFFFFE000  }
0x91: {  	[spmem:s3] =	stream.indirect.scatter.add.f32 [tilespmem:s21], [sflag:$0x5], $0x80, s30, s15, $0xb8;
	[tilespmem:$0x1E600] =	vst v63  }
0x92: {  	_ =	swait.ge [sflag:s12], $0x2000  }
0x93: {  	[sflag:s12] =	ssyncset.done $0x0  }
0x94: {  	s8 =	sadd.s32 $0xC0, s2;
	[sflag:s12] =	ssyncadd.s32 $0xFFFFE000  }
0x95: {  	[tilespmem:s21], [sflag:$0x4] =	stream.indirect.gather [hbm4b:s1+s15], $0x80, s8, s15, $0xb8;
	[tilespmem:$0x1E600] =	vst v63  }
0x96: {  	s9 =	rddreg [dreg:$0x8]  }
0x97: {  	[tilespmem:s22], [sflag:$0x5] =	stream.linear.gather [hbm4b:s9+s4], $0x200, $0x38;
	[tilespmem:$0x1E600] =	vst v63  }
0x98: {  	_ =	swait.ge [sflag:s12], $0x200  }
0x99: {  	[sflag:s12] =	ssyncset.done $0x0  }
0x9a: {  	[sflag:s12] =	ssyncadd.s32 $0xFFFFFE00  }
0x9b: {  	_ =	swait.ge [sflag:s23], $0x2000  }
0x9c: {  	[sflag:s23] =	ssyncset.done $0x0  }
0x9d: {  	[sflag:s23] =	ssyncadd.s32 $0xFFFFE000  }
0x9e: {  	[spmem:s3] =	stream.indirect.scatter.add.f32 [tilespmem:s16], [sflag:$0x5], $0x80, s22, s15, $0xb8;
	[tilespmem:$0x1E600] =	vst v63  }
0x9f: {  	_ =	swait.ge [sflag:s12], $0x2000  }
0xa0: {  	[sflag:s12] =	ssyncset.done $0x0  }
0xa1: {  	[sflag:s12] =	ssyncadd.s32 $0xFFFFE000  }
0xa2: {  	[tilespmem:s16], [sflag:$0x1] =	stream.indirect.gather [hbm4b:s1+s15], $0x80, s4, s15, $0xb8;
	[tilespmem:$0x1E600] =	vst v63  }
0xa3: {  	_ =	swait.ge [sflag:s24], $0x2000  }
0xa4: {  	[sflag:s24] =	ssyncset.done $0x0  }
0xa5: {  	[sflag:s24] =	ssyncadd.s32 $0xFFFFE000  }
0xa6: {  	[spmem:s3] =	stream.indirect.scatter.add.f32 [tilespmem:s17], [sflag:$0x5], $0x80, s25, s15, $0xb8;
	[tilespmem:$0x1E600] =	vst v63  }
0xa7: {  	_ =	swait.ge [sflag:s12], $0x2000  }
0xa8: {  	[sflag:s12] =	ssyncset.done $0x0  }
0xa9: {  	[sflag:s12] =	ssyncadd.s32 $0xFFFFE000  }
0xaa: {  	[tilespmem:s17], [sflag:$0x2] =	stream.indirect.gather [hbm4b:s1+s15], $0x80, s15, s15, $0xb8;
	[tilespmem:$0x1E600] =	vst v63  }
0xab: {  	_ =	swait.ge [sflag:s26], $0x2000  }
0xac: {  	[sflag:s26] =	ssyncset.done $0x0  }
0xad: {  	[sflag:s26] =	ssyncadd.s32 $0xFFFFE000  }
0xae: {  	[spmem:s3] =	stream.indirect.scatter.add.f32 [tilespmem:s19], [sflag:$0x5], $0x80, s28, s15, $0xb8;
	[tilespmem:$0x1E600] =	vst v63  }
0xaf: {  	_ =	swait.ge [sflag:s12], $0x2000  }
0xb0: {  	[sflag:s12] =	ssyncset.done $0x0  }
0xb1: {  	[sflag:s12] =	ssyncadd.s32 $0xFFFFE000  }
0xb2: {  	[tilespmem:s19], [sflag:$0x3] =	stream.indirect.gather [hbm4b:s1+s15], $0x80, s18, s15, $0xb8;
	[tilespmem:$0x1E600] =	vst v63  }
0xb3: {  	_ =	swait.ge [sflag:s29], $0x2000  }
0xb4: {  	[sflag:s29] =	ssyncset.done $0x0  }
0xb5: {  	[sflag:s29] =	ssyncadd.s32 $0xFFFFE000  }
0xb6: {  	[spmem:s3] =	stream.indirect.scatter.add.f32 [tilespmem:s21], [sflag:$0x5], $0x80, s30, s15, $0xb8;
	[tilespmem:$0x1E600] =	vst v63  }
0xb7: {  	_ =	swait.ge [sflag:s12], $0x2000  }
0xb8: {  	[sflag:s12] =	ssyncset.done $0x0  }
0xb9: {  	[sflag:s12] =	ssyncadd.s32 $0xFFFFE000  }
0xba: {  	[tilespmem:s21], [sflag:$0x4] =	stream.indirect.gather [hbm4b:s1+s15], $0x80, s20, s15, $0xb8;
	[tilespmem:$0x1E600] =	vst v63  }
0xbb: {  	_ =	swait.ge [sflag:s23], $0x2000  }
0xbc: {  	[sflag:s23] =	ssyncset.done $0x0  }
0xbd: {  	[sflag:s23] =	ssyncadd.s32 $0xFFFFE000  }
0xbe: {  	_ =	swait.ge [sflag:s24], $0x2000  }
0xbf: {  	[sflag:s24] =	ssyncset.done $0x0  }
0xc0: {  	[sflag:s24] =	ssyncadd.s32 $0xFFFFE000  }
0xc1: {  	_ =	swait.ge [sflag:s26], $0x2000  }
0xc2: {  	[sflag:s26] =	ssyncset.done $0x0  }
0xc3: {  	[sflag:s26] =	ssyncadd.s32 $0xFFFFE000  }
0xc4: {  	_ =	swait.ge [sflag:s29], $0x2000  }
0xc5: {  	[sflag:s29] =	ssyncset.done $0x0  }
0xc6: {  	[sflag:s29] =	ssyncadd.s32 $0xFFFFE000  }
0xc7: {  	[bflag:$0x0] =	sbarrier.arrive $0xFFFF  }
0xc8: {  	s10 =	rddreg [dreg:$0x6]  }
0xc9: {  	[hbm:s10], [sflag:s13] =	dma.local [spmem:s14], $0x2780  }
0xca: {  	_ =	swait.ge [sflag:s12], $0x2780  }
0xcb: {  	s31 =	sadd.s32 $0x1, s31;
	s11 =	rddreg [dreg:$0x7]  }
0xcc: {  	p0 =	sne.s32 s31, s11  }
.Ltmp1:
0xcd: {  	_ = 	snop;
	(pc) =	sbr.rel @p0 .LBB2_1-.Ltmp1, $3  }
0xce: {  	_ =	sdelay $0x1  }
0xcf: {  	[sflag:s12] =	ssyncset.done $0x0  }
0xd0: {  	[sflag:s12] =	ssyncadd.s32 $0xFFFFD880  }
0xd1: {  	_ =	sfence.sel $0x180000  }
0xd2: {  	[bflag:$0x0] =	sbarrier.arrive $0xFFFF  }
0xd3: {  	_ =	strace $0x9000004D  }
0xd4: {  	s0 =	stileid.u32;
	[bflag:$0x2] =	sbarrier.arrive $0xFFFF  }
0xd5: {  	p0 =	sne.s32 s0, $0x0;
	s0 =	rddreg [dreg:$0x3]  }
0xd6: {  	s0 =	sadd.s32 @!p0 $0x100000, s0  }
0xd7: {  	[sflag:s0] =	ssyncadd.tile.s32 @!p0 $0x1;
	_ =	shalt  }
.Lfunc_end2:
_tile_overlayer_lowered:
.L_overlay_start_2:
0xd8: {  	(tag) =	ssettag $0x2  }
0xd9: {  	s0 =	rddreg [dreg:$0x0];
	s2 =	stileid.u32  }
0xda: {  	s1 =	rddreg [dreg:$0x1];
	p0 =	sne.s32 s2, $0x0  }
0xdb: {  	s3 =	rddreg [dreg:$0x2];
	[bflag:$0x3] =	sbarrier.arrive $0xFFFF;
	s2 =	simm.s32 @!p0 $0x1C05  }
0xdc: {  	[timem:s3], [sflag:s2] =	dma.local @!p0 [hbm:s0], s1  }
0xdd: {  	s0 =	simm.s32 @!p0 $0x5  }
0xde: {  	_ =	swait.ge @!p0 [sflag:s0], s1  }
0xdf: {  	s1 =	ssub.s32 @!p0 $0x0, s1;
	[sflag:s0] =	ssyncset.done @!p0 $0x0  }
0xe0: {  	[sflag:s0] =	ssyncadd.s32 @!p0 s1  }
0xe1: {  	[bflag:$0x3] =	sbarrier.arrive $0xFFFF  }
0xe2: {  	_ =	shalt  }

// kernel: kernel.8.cloned.1.call-start
scs
__scs_entry_jumppad:
0x0: {  	(pc) =	sbr.rel $0x88, $3  }
0x1: {  	(tag) =	ssettag $0x0;
	lr =	simm.s32 $0x1  }
0x2: {  	[smem:$0x3F9B] =	sst lr;
	_ =	strace $0xD0000000  }
0x3: {  	_ = 	snop  }
0x4: {  	_ = 	snop  }
0x5: {  	_ = 	snop  }
0x6: {  	_ = 	snop  }
0x7: {  	_ = 	snop  }
__scs_overlays_trampoline_lowered:
0x8: {  	[smem:$0x3FAA] =	sst s0  }
0x9: {  	[smem:$0x3FAB] =	sst s1  }
0xa: {  	[smem:$0x3FAC] =	sst s2  }
0xb: {  	[smem:$0x3FAD] =	sst s3  }
0xc: {  	[smem:$0x3FAE] =	sst s4  }
0xd: {  	[smem:$0x3FAF] =	sst s5  }
0xe: {  	[smem:$0x3FB0] =	sst s6  }
0xf: {  	[smem:$0x3FB1] =	sst s7  }
0x10: {  	[smem:$0x3FB2] =	sst s8  }
0x11: {  	[smem:$0x3FB3] =	sst s9;
	s0 =	simm.s32 @!p0 $0x0  }
0x12: {  	s1 =	sld [smem:$0x3F99];
	s0 =	simm.s32 @p0 $0x1  }
0x13: {  	[smem:$0x3FB4] =	sst s0;
	s0 =	simm.s32 @!p1 $0x0  }
0x14: {  	s2 =	sld [smem:$0x3F98];
	s0 =	simm.s32 @p1 $0x1  }
0x15: {  	[smem:$0x3FB5] =	sst s0;
	s0 =	simm.s32 @!p2 $0x0  }
0x16: {  	s3 =	sld [smem:$0x3FDB];
	s0 =	simm.s32 @p2 $0x1  }
0x17: {  	s4 =	simm.s32 $0x1BF5;
	[smem:$0x3FB7] =	sst s0  }
0x18: {  	s0 =	sld [smem:$0x3F9A];
	_ =	swait.ge [sflag:s4], $0x0  }
0x19: {  	s7 =	sld [smem:$0x3F9B]  }
0x1a: {  	s8 =	sadd.s32 $0xFFFFE003, lr  }
0x1b: {  	s9 =	sadd.s32 $0xFFFFFEF7, lr;
	s5 =	simm.s32 $0xFFFFFFFF;
	p2 =	slt.u32 s8, $0xFFFFF086  }
0x1c: {  	p1 =	slt.u32 s9, $0xF7A;
	s5 =	simm.s32 @!p2 $0x0  }
0x1d: {  	s5 =	simm.s32 @p1 $0x1;
	p0 =	seq.s32 s7, s2  }
0x1e: {  	s7 =	smul.u32 @!p0 $0xF7A, s2;
	p2 =	seq.s32 @!p0 s5, $0x0  }
0x1f: {  	s9 =	smul.u32 $0xF7A, s1;
	s8 =	simm.s32 @!p0 $0x1BF5;
	p2 =	por !p2, p0  }
0x20: {  	[sflag:s8] =	ssyncset.s32 @!p0 $0xFFFFF086;
	s6 =	sadd.s32 @!p0 s3, s7;
	s7 =	simm.s32 @!p0 $0x108  }
0x21: {  	s3 =	sadd.s32 s3, s9;
	s6 =	sadd.s32 @!p0 $0x88, s6;
	s7 =	simm.s32 @p2 $0x1082  }
0x22: {  	[simem:s7], [sflag:s8] =	dma.local @!p0 [hbm:s6], $0xF7A  }
0x23: {  	s9 =	sor.u32 $0xD0000000, s2;
	s6 =	simm.s32 $0x108;
	_ =	swait.ge @!p0 [sflag:s8], $0x0  }
0x24: {  	s3 =	sadd.s32 $0x88, s3;
	s6 =	simm.s32 @!p1 $0x1082;
	[sflag:s4] =	ssyncset.s32 $0xFFFFF086  }
0x25: {  	[simem:s6], [sflag:s4] =	dma.local [hbm:s3], $0xF7A  }
0x26: {  	[smem:$0x3F9B] =	sst s1;
	(tag) =	ssettag s2;
	_ =	strace s9  }
0x27: {  	s1 =	sld [smem:$0x3FAB]  }
0x28: {  	s2 =	sld [smem:$0x3FAC]  }
0x29: {  	s4 =	sld [smem:$0x3FAE]  }
0x2a: {  	p0 =	seq.s32 s5, $0x0;
	s5 =	sld [smem:$0x3FAF]  }
0x2b: {  	s6 =	sld [smem:$0x3FB0]  }
0x2c: {  	s7 =	sld [smem:$0x3FB1]  }
0x2d: {  	s3 =	simm.s32 $0x108;
	s8 =	sld [smem:$0x3FB2]  }
0x2e: {  	s3 =	simm.s32 @!p0 $0x1082;
	s9 =	sld [smem:$0x3FB3]  }
0x2f: {  	lr =	sadd.s32 s0, s3;
	s0 =	sld [smem:$0x3FAA]  }
0x30: {  	s3 =	sld [smem:$0x3FAD]  }
0x31: {  	[smem:$0x3FB6] =	sst s10  }
0x32: {  	s10 =	sld [smem:$0x3FB4];
	_ =	sdelay $0x3  }
0x33: {  	p0 =	seq.s32 s10, $0x1;
	s10 =	sld [smem:$0x3FB6];
	_ =	sdelay $0x3  }
0x34: {  	[smem:$0x3FB6] =	sst s10  }
0x35: {  	s10 =	sld [smem:$0x3FB5];
	_ =	sdelay $0x3  }
0x36: {  	p1 =	seq.s32 s10, $0x1;
	s10 =	sld [smem:$0x3FB6];
	_ =	sdelay $0x3  }
0x37: {  	[smem:$0x3FB6] =	sst s10  }
0x38: {  	s10 =	sld [smem:$0x3FB7]  }
0x39: {  	_ = 	snop;
	(pc) =	sbr.ind lr, $3  }
0x3a: {  	_ = 	snop  }
0x3b: {  	_ = 	snop  }
0x3c: {  	p2 =	seq.s32 s10, $0x1;
	s10 =	sld [smem:$0x3FB6]  }
0x3d: {  	_ =	shalt  }
0x3e: {  	_ =	shalt  }
0x3f: {  	_ =	shalt  }
0x40: {  	_ =	shalt  }
0x41: {  	_ =	shalt  }
0x42: {  	_ =	shalt  }
0x43: {  	_ =	shalt  }
0x44: {  	_ =	shalt  }
0x45: {  	_ =	shalt  }
0x46: {  	_ =	shalt  }
0x47: {  	_ =	shalt  }
0x48: {  	_ =	shalt  }
0x49: {  	_ =	shalt  }
0x4a: {  	_ =	shalt  }
0x4b: {  	_ =	shalt  }
0x4c: {  	_ =	shalt  }
0x4d: {  	_ =	shalt  }
0x4e: {  	_ =	shalt  }
0x4f: {  	_ =	shalt  }
0x50: {  	_ =	shalt  }
0x51: {  	_ =	shalt  }
0x52: {  	_ =	shalt  }
0x53: {  	_ =	shalt  }
0x54: {  	_ =	shalt  }
0x55: {  	_ =	shalt  }
0x56: {  	_ =	shalt  }
0x57: {  	_ =	shalt  }
0x58: {  	_ =	shalt  }
0x59: {  	_ =	shalt  }
0x5a: {  	_ =	shalt  }
0x5b: {  	_ =	shalt  }
0x5c: {  	_ =	shalt  }
0x5d: {  	_ =	shalt  }
0x5e: {  	_ =	shalt  }
0x5f: {  	_ =	shalt  }
0x60: {  	_ =	shalt  }
0x61: {  	_ =	shalt  }
0x62: {  	_ =	shalt  }
0x63: {  	_ =	shalt  }
0x64: {  	_ =	shalt  }
0x65: {  	_ =	shalt  }
0x66: {  	_ =	shalt  }
0x67: {  	_ =	shalt  }
0x68: {  	_ =	shalt  }
0x69: {  	_ =	shalt  }
0x6a: {  	_ =	shalt  }
0x6b: {  	_ =	shalt  }
0x6c: {  	_ =	shalt  }
0x6d: {  	_ =	shalt  }
0x6e: {  	_ =	shalt  }
0x6f: {  	_ =	shalt  }
0x70: {  	_ =	shalt  }
0x71: {  	_ =	shalt  }
0x72: {  	_ =	shalt  }
0x73: {  	_ =	shalt  }
0x74: {  	_ =	shalt  }
0x75: {  	_ =	shalt  }
0x76: {  	_ =	shalt  }
0x77: {  	_ =	shalt  }
0x78: {  	_ =	shalt  }
0x79: {  	_ =	shalt  }
0x7a: {  	_ =	shalt  }
0x7b: {  	_ =	shalt  }
0x7c: {  	_ =	shalt  }
0x7d: {  	_ =	shalt  }
0x7e: {  	_ =	shalt  }
0x7f: {  	_ =	shalt  }
0x80: {  	_ =	shalt  }
0x81: {  	_ =	shalt  }
0x82: {  	_ =	shalt  }
0x83: {  	_ =	shalt  }
0x84: {  	_ =	shalt  }
0x85: {  	_ =	shalt  }
0x86: {  	_ =	shalt  }
0x87: {  	_ =	shalt  }
.Lfunc_end0:
.L_simem_size_0:
called_computation_lowered:
.L_overlay_start_0:
0x88: {  	s2 =	sld [smem:$0x3FD9]  }
0x89: {  	s3 =	sld [smem:$0x3FFE];
	_ =	sdelay $0x1  }
0x8a: {  	s1 =	srdreg.scid  }
0x8b: {  	s0 =	sand.u32 $0x1, s1  }
0x8c: {  	s17 =	sshll.u32 s0, $0xA;
	s2 =	sadd.s32 s3, s2  }
0x8d: {  	s2 =	sadd.s32 s2, s17  }
0x8e: {  	[smem:$0x3FC2] =	sst s2  }
0x8f: {  	_ = 	snop  }
0x90: {  	s2 =	sld [smem:$0x3FD0];
	(tm) =	ssettm $0x1  }
0x91: {  	s18 =	sld [smem:$0x3FFB];
	_ =	sdelay $0x3  }
0x92: {  	_ =	strace s18  }
0x93: {  	s3 =	sld [smem:$0x3FFC];
	_ =	sdelay $0x3  }
0x94: {  	_ =	strace s3  }
0x95: {  	s3 =	sld [smem:$0x3FFD];
	_ =	sdelay $0x3  }
0x96: {  	_ =	strace s3  }
0x97: {  	_ =	strace $0x8FFFFFFF  }
0x98: {  	s19 =	sld [smem:$0x3FDB];
	_ =	sdelay $0x1  }
0x99: {  	s4 =	simm.s32 $_scs_section_size  }
0x9a: {  	s5 =	simm.s32 $_size__tile_overlayer_lowered;
	s6 =	simm.s32 $_tile_overlayer_lowered  }
0x9b: {  	s22 =	simm.s32 $0x1BFF;
	s21 =	sshll.u32 s6, $0x1;
	s3 =	sadd.s32 s4, s19  }
0x9c: {  	s7 =	simm.s32 $0x0;
	s20 =	sshll.u32 s5, $0x1;
	s5 =	sadd.s32 s21, s3  }
0x9d: {  	[timem:s7], [sflag:s22] =	dma.local [hbm:s5], s20  }
0x9e: {  	_ =	swait.ge [sflag:s22], s20  }
0x9f: {  	s4 =	ssub.s32 $0x0, s20;
	[sflag:s22] =	ssyncset.done $0x0  }
0xa0: {  	[sflag:s22] =	ssyncadd.s32 s4;
	_ =	sdelay $0x1  }
0xa1: {  	s23 =	simm.s32 $0x1B8B  }
0xa2: {  	_ =	swait.ge [sflag:s23], $0x1  }
0xa3: {  	[sflag:s23] =	ssyncset.done $0x0  }
0xa4: {  	s25 =	simm.s32 $0x1B8E;
	s24 =	sld [smem:$0x3FFE];
	[sflag:s23] =	ssyncadd.s32 $0xFFFFFFFF  }
0xa5: {  	s26 =	simm.s32 $execute0_lowered;
	[smem:$0x3FD2] =	sst s25  }
0xa6: {  	s5 =	sshll.u32 s26, $0x1;
	_ =	strace $0x80000046;
	[dreg:$0x1] =	wrdreg $0xFFFFFFFF  }
0xa7: {  	s28 =	simm.s32 $_size_execute0_lowered;
	s3 =	sadd.s32 s3, s5;
	[dreg:$0x0] =	wrdreg $0x0  }
0xa8: {  	s5 =	sshll.u32 s28, $0x1;
	[dreg:$0x2] =	wrdreg s3  }
0xa9: {  	[dreg:$0x3] =	wrdreg s5  }
0xaa: {  	[dreg:$0x4] =	wrdreg $0xC0  }
0xab: {  	_ =	task [dreg:s7], $0x5FFFF  }
0xac: {  	[dreg:$0x1] =	wrdreg $0xFFFFFFFF  }
0xad: {  	[dreg:$0x0] =	wrdreg $0x60  }
0xae: {  	[dreg:$0x2] =	wrdreg s2  }
0xaf: {  	[dreg:$0x3] =	wrdreg s24  }
0xb0: {  	[dreg:$0x4] =	wrdreg $0x9  }
0xb1: {  	_ =	task.clear_ibuf [dreg:s7], $0x5FFFF;
	_ =	strace $0x90000046  }
0xb2: {  	s29 =	simm.s32 $0x9;
	_ =	strace $0x80000048  }
0xb3: {  	_ =	swait.ge [sflag:s29], $0x1  }
0xb4: {  	[sflag:s29] =	ssyncadd.s32 $0xFFFFFFFF  }
0xb5: {  	_ =	strace $0x90000048  }
0xb6: {  	_ =	sfence  }
0xb7: {  	s30 =	sld [smem:$0x0];
	_ =	sdelay $0x2  }
0xb8: {  	s31 =	sshll.u32 s1, $0xD;
	s1 =	sshrl.u32 s1, $0x2  }
0xb9: {  	s3 =	sand.u32 $0x4000, s31;
	s1 =	sadd.s32 s1, s30  }
0xba: {  	s0 =	sor.u32 s3, s0;
	s1 =	sshll.u32 s1, $0x11  }
0xbb: {  	s0 =	sor.u32 s1, s0  }
0xbc: {  	s0 =	sadd.s32 $0x8F2B, s0  }
0xbd: {  	[sflag:s0] =	ssyncadd.remote.s32 $0x1  }
0xbe: {  	_ =	sfence.sel $0xFFFF  }
0xbf: {  	[dreg:$0x0] =	wrdreg $0xFFFFFFFF;
	(pc) =	sbr.abs _section_cstart, $3  }
0xc0: {  	[dreg:$0x1] =	wrdreg $0xFFFFFFFF  }
0xc1: {  	_ =	task.clear_ibuf [dreg:s7], $0x2FFFF;
	_ =	strace $0x9FFFFFFF  }
0xc2: {  	(tm) =	ssettm $0x7FFFFFFF  }
0xc3: {  	_ =	shalt  }
tec
execute0_lowered:
.L_overlay_start_1:
0x0: {  	(tag) =	ssettag $0x1  }
0x1: {  	s4 =	rddreg [dreg:$0x0]  }
0x2: {  	s5 =	rddreg [dreg:$0x1]  }
0x3: {  	s0 =	rddreg [dreg:$0x2]  }
0x4: {  	s2 =	simm.s32 $0x0;
	s3 =	srdreg.scid;
	s1 =	stileid.u32  }
0x5: {  	s10 =	simm.s32 $0x2800;
	s11 =	simm.s32 $0x0;
	s6 =	sand.u32 $0x1, s3  }
0x6: {  	s29 =	sshrl.u32 s1, $0x2;
	s7 =	sshll.u32 s1, $0x8;
	[smem:$0x7FF] =	sst s2  }
0x7: {  	s3 =	sadd.s32 $0xCA00, s5;
	s8 =	sshll.u32 s6, $0x7;
	s9 =	smul.u32 $0x13C00, s29  }
0x8: {  	s7 =	sand.u32 $0x300, s7;
	s30 =	smul.u32 $0x14000, s29;
	s6 =	ssub.s32 $0x2, s6  }
0x9: {  	_ =	strace $0x80000047;
	s7 =	sor.u32 s8, s7;
	s31 =	sshrl.u32 s6, $0x1  }
0xa: {  	s8 =	simm.s32 $0x400;
	s9 =	sor.u32 s9, s7;
	s7 =	sor.u32 s30, s7  }
0xb: {  	s6 =	ssub.s32 s6, s31;
	s9 =	sshrl.u32 s9, $0x3;
	s7 =	sshrl.u32 s7, $0x3  }
0xc: {  	s6 =	smax.u32 s6, $0x1;
	s5 =	sadd.s32 s9, s5;
	s4 =	sadd.s32 s4, s7  }
0xd: {  	v0 =	vimm.f32 $1.000000000e+00;
	s7 =	simm.s32 $0x80;
	s9 =	simm.s32 $0x1;
	s5 =	sadd.s32 $0xD000, s5  }
.LBB2_1:
0xe: {  	[tilespmem:s2], [sflag:$0x1] =	stream.strided.gather [hbm4b:s4+s7], $0x2800, s8, s7, $0x38;
	[tilespmem:$0x4F80] =	vst v63  }
0xf: {  	_ =	swait.ge [sflag:s9], $0x2800  }
0x10: {  	[sflag:s9] =	ssyncset.done $0x0  }
0x11: {  	[sflag:s9] =	ssyncadd.s32 $0xFFFFD800  }
0x12: {  	[tilespmem:s10], [sflag:$0x1] =	stream.linear.gather [hbm4b:s3+s2], $0x2780, $0x38;
	[tilespmem:$0x4F80] =	vst v63  }
0x13: {  	_ =	swait.ge [sflag:s9], $0x2780  }
0x14: {  	[sflag:s9] =	ssyncset.done $0x0  }
0x15: {  	s13 =	simm.s32 $0x0;
	s12 =	simm.s32 $0x40;
	[sflag:s9] =	ssyncadd.s32 $0xFFFFD880  }
.LBB2_2:
0x16: {  	p0 =	sne.s32 s12, $0x9FC0;
	v1 =	vld [tilespmem:s13+$0x0];
	_ =	sdelay $0x3  }
.Ltmp0:
0x17: {  	(pc) =	sbr.rel @p0 .LBB2_2-.Ltmp0, $2  }
0x18: {  	_ =	sdelay $0x2  }
0x19: {  	s13 =	sshra.s32 s12, $0x2;
	s12 =	sadd.s32 $0x40, s12;
	[tilespmem:v1+s10+$0x0] =	vst.idx.add.f32.msk $0xffff, v0  }
0x1a: {  	v1 =	vld [tilespmem:s13+$0x0];
	_ =	sdelay $0x5  }
0x1b: {  	s11 =	sadd.s32 $0x1, s11  }
0x1c: {  	p0 =	sne.s32 s11, s6  }
.Ltmp1:
0x1d: {  	[tilespmem:v1+s10+$0x0] =	vst.idx.add.f32.msk $0xffff, v0;
	(pc) =	sbr.rel @p0 .LBB2_1-.Ltmp1, $4  }
0x1e: {  	[hbm4b:s5+s7] =	stream.strided.scatter [tilespmem:s10], [sflag:$0x1], $0x2780, s8, s7, $0x38;
	[tilespmem:$0x4F80] =	vst v63  }
0x1f: {  	_ =	swait.ge [sflag:s9], $0x2780  }
0x20: {  	[sflag:s9] =	ssyncset.done $0x0  }
0x21: {  	[sflag:s9] =	ssyncadd.s32 $0xFFFFD880  }
0x22: {  	_ =	sfence.sel $0x180000  }
0x23: {  	[bflag:$0x0] =	sbarrier.arrive $0xFFFF  }
0x24: {  	p0 =	sne.s32 s1, $0x0;
	_ =	strace $0x90000047  }
0x25: {  	s0 =	sadd.s32 @!p0 $0x100000, s0;
	[bflag:$0x2] =	sbarrier.arrive $0xFFFF  }
0x26: {  	[sflag:s0] =	ssyncadd.tile.s32 @!p0 $0x1;
	_ =	shalt  }
.Lfunc_end2:
_tile_overlayer_lowered:
.L_overlay_start_2:
0x27: {  	(tag) =	ssettag $0x2  }
0x28: {  	s0 =	rddreg [dreg:$0x0];
	s2 =	stileid.u32  }
0x29: {  	s1 =	rddreg [dreg:$0x1];
	p0 =	sne.s32 s2, $0x0  }
0x2a: {  	s3 =	rddreg [dreg:$0x2];
	[bflag:$0x3] =	sbarrier.arrive $0xFFFF;
	s2 =	simm.s32 @!p0 $0x1C01  }
0x2b: {  	[timem:s3], [sflag:s2] =	dma.local @!p0 [hbm:s0], s1  }
0x2c: {  	s0 =	simm.s32 @!p0 $0x1  }
0x2d: {  	_ =	swait.ge @!p0 [sflag:s0], s1  }
0x2e: {  	s1 =	ssub.s32 @!p0 $0x0, s1;
	[sflag:s0] =	ssyncset.done @!p0 $0x0  }
0x2f: {  	[sflag:s0] =	ssyncadd.s32 @!p0 s1  }
0x30: {  	[bflag:$0x3] =	sbarrier.arrive $0xFFFF  }
0x31: {  	_ =	shalt  }

</sc_bundles>
